<compile_context>
chip_gen: v7x
topology: tpu7x:2x2x1
jax: 0.10.2.dev20260603
libtpu: 0.0.44.dev20260713+nightly
codegen_flags: <defaults>
</compile_context>

<pallas_src>
import numpy as np
import jax
import jax.numpy as jnp
from jax.experimental import pallas as pl
from jax.experimental.pallas import tpu as pltpu

_STRIDE = 16
_SIZES = (128.0, 256.0, 512.0)
_RATIOS = (0.5, 1.0, 2.0)
_PRE_NMS = 5000
_POST_NMS = 1000
_NMS_THRESH = 0.7
_MIN_SIZE = 1.0

_ROWS = 40
_LANES = 128
_NEG_INF = float("-inf")


def _conv2d(x, w, b):
    y = jax.lax.conv_general_dilated(x, w, window_strides=(1, 1), padding='SAME',
                                     dimension_numbers=('NCHW', 'OIHW', 'NCHW'))
    return y + b[None, :, None, None]


def _make_anchors(H, W):
    scales = jnp.asarray(_SIZES, dtype=jnp.float32)
    ratios = jnp.asarray(_RATIOS, dtype=jnp.float32)
    h_r = jnp.sqrt(ratios)
    w_r = 1.0 / h_r
    ws = (w_r[:, None] * scales[None, :]).reshape(-1)
    hs = (h_r[:, None] * scales[None, :]).reshape(-1)
    base = jnp.stack([-ws, -hs, ws, hs], axis=1) * 0.5
    sx = (jnp.arange(W, dtype=jnp.float32) + 0.5) * _STRIDE
    sy = (jnp.arange(H, dtype=jnp.float32) + 0.5) * _STRIDE
    gx, gy = jnp.meshgrid(sx, sy)
    shifts = jnp.stack([gx, gy, gx, gy], axis=-1).reshape(-1, 1, 4)
    return (shifts + base[None, :, :]).reshape(-1, 4)


def _decode(anchors, deltas):
    wa = anchors[:, 2] - anchors[:, 0]
    ha = anchors[:, 3] - anchors[:, 1]
    cxa = anchors[:, 0] + 0.5 * wa
    cya = anchors[:, 1] + 0.5 * ha
    dx, dy = deltas[:, 0], deltas[:, 1]
    lim = float(np.log(1000.0 / 16.0))
    dw = jnp.minimum(deltas[:, 2], lim)
    dh = jnp.minimum(deltas[:, 3], lim)
    cx = dx * wa + cxa
    cy = dy * ha + cya
    w = jnp.exp(dw) * wa
    h = jnp.exp(dh) * ha
    return jnp.stack([cx - 0.5 * w, cy - 0.5 * h, cx + 0.5 * w, cy + 0.5 * h], axis=1)


def _clip_boxes(boxes, image_h, image_w):
    x1 = jnp.minimum(jnp.maximum(boxes[:, 0], 0.0), image_w)
    y1 = jnp.minimum(jnp.maximum(boxes[:, 1], 0.0), image_h)
    x2 = jnp.minimum(jnp.maximum(boxes[:, 2], 0.0), image_w)
    y2 = jnp.minimum(jnp.maximum(boxes[:, 3], 0.0), image_h)
    return jnp.stack([x1, y1, x2, y2], axis=1)


def _plane(v, fill):
    return jnp.concatenate(
        [v, jnp.full((_ROWS * _LANES - _PRE_NMS,), fill, v.dtype)]).reshape(_ROWS, _LANES)


def _nms_kernel(sc_ref, x1_ref, y1_ref, x2_ref, y2_ref, out_ref, ar_ref):
    x1 = x1_ref[...]
    y1 = y1_ref[...]
    x2 = x2_ref[...]
    y2 = y2_ref[...]
    ws_ = x2 - x1
    hs_ = y2 - y1
    size_ok = jnp.logical_and(ws_ >= _MIN_SIZE, hs_ >= _MIN_SIZE)
    sc = jnp.where(size_ok, sc_ref[...], _NEG_INF)
    ar_ref[...] = ws_ * hs_

    lin = (jax.lax.broadcasted_iota(jnp.int32, (_ROWS, _LANES), 0) * _LANES
           + jax.lax.broadcasted_iota(jnp.int32, (_ROWS, _LANES), 1))
    big = jnp.int32(_ROWS * _LANES)
    lane = jax.lax.broadcasted_iota(jnp.int32, (1, _LANES), 1)

    oh0 = lin == 0
    b0x1 = jnp.sum(jnp.where(oh0, x1, 0.0))
    b0y1 = jnp.sum(jnp.where(oh0, y1, 0.0))
    b0x2 = jnp.sum(jnp.where(oh0, x2, 0.0))
    b0y2 = jnp.sum(jnp.where(oh0, y2, 0.0))
    row0 = jnp.where(lane == 0, b0x1,
           jnp.where(lane == 1, b0y1,
           jnp.where(lane == 2, b0x2,
           jnp.where(lane == 3, b0y2, 0.0))))

    def nms_body(i, scv):
        m = jnp.max(scv)

        def live(scv):
            mb = scv == m
            bi = jnp.min(jnp.where(mb, lin, big))
            r = jax.lax.shift_right_logical(bi, 7)
            l = jnp.bitwise_and(bi, jnp.int32(_LANES - 1))
            le = lane == l
            bx1 = jnp.sum(jnp.where(le, x1_ref[pl.ds(r, 1), :], 0.0))
            by1 = jnp.sum(jnp.where(le, y1_ref[pl.ds(r, 1), :], 0.0))
            bx2 = jnp.sum(jnp.where(le, x2_ref[pl.ds(r, 1), :], 0.0))
            by2 = jnp.sum(jnp.where(le, y2_ref[pl.ds(r, 1), :], 0.0))
            barea = jnp.sum(jnp.where(le, ar_ref[pl.ds(r, 1), :], 0.0))
            oh = lin == bi
            ix1 = jnp.maximum(bx1, x1_ref[...])
            iy1 = jnp.maximum(by1, y1_ref[...])
            ix2 = jnp.minimum(bx2, x2_ref[...])
            iy2 = jnp.minimum(by2, y2_ref[...])
            inter = jnp.maximum(ix2 - ix1, 0.0) * jnp.maximum(iy2 - iy1, 0.0)
            iou = inter / jnp.maximum(barea + ar_ref[...] - inter, 1e-9)
            ns = jnp.where(iou > _NMS_THRESH, _NEG_INF, scv)
            ns = jnp.where(oh, _NEG_INF, ns)
            rowv = jnp.where(lane == 0, bx1,
                   jnp.where(lane == 1, by1,
                   jnp.where(lane == 2, bx2,
                   jnp.where(lane == 3, by2, 0.0))))
            out_ref[pl.ds(i, 1), :] = rowv
            return ns

        def dead(scv):
            out_ref[pl.ds(i, 1), :] = row0
            return scv

        return jax.lax.cond(m > _NEG_INF, live, dead, scv)

    jax.lax.fori_loop(0, _POST_NMS, nms_body, sc)


def _run_nms(sc, x1, y1, x2, y2, interpret=False):
    return pl.pallas_call(
        _nms_kernel,
        out_shape=jax.ShapeDtypeStruct((1024, _LANES), jnp.float32),
        in_specs=[pl.BlockSpec(memory_space=pltpu.VMEM)] * 5,
        out_specs=pl.BlockSpec(memory_space=pltpu.VMEM),
        scratch_shapes=[pltpu.VMEM((_ROWS, _LANES), jnp.float32)],
        interpret=interpret,
    )(sc, x1, y1, x2, y2)


def kernel(feature, w1, b1, w_cls, b_cls, w_reg, b_reg, image_h, image_w,
           interpret=False):
    x = jax.nn.relu(_conv2d(feature, w1, b1))
    conf = _conv2d(x, w_cls, b_cls)
    off = _conv2d(x, w_reg, b_reg)
    conf_flat = jnp.transpose(conf, (0, 2, 3, 1)).reshape(-1)
    off_flat = jnp.transpose(off, (0, 2, 3, 1)).reshape(-1, 4)

    H, W = feature.shape[2], feature.shape[3]
    anchors = _make_anchors(H, W)
    pre = min(int(conf_flat.shape[0]), _PRE_NMS)
    top_scores, top_idx = jax.lax.top_k(conf_flat, pre)
    prop = _decode(anchors[top_idx], off_flat[top_idx])
    prop = _clip_boxes(prop, jnp.asarray(image_h, jnp.float32),
                       jnp.asarray(image_w, jnp.float32))

    sc_p = _plane(top_scores, _NEG_INF)
    x1_p = _plane(prop[:, 0], 0.0)
    y1_p = _plane(prop[:, 1], 0.0)
    x2_p = _plane(prop[:, 2], 0.0)
    y2_p = _plane(prop[:, 3], 0.0)

    if interpret:
        out = _run_nms(sc_p, x1_p, y1_p, x2_p, y2_p, interpret=True)
    else:
        out = jax.lax.cond(
            top_scores[0] >= -3.0e38,
            lambda: _run_nms(sc_p, x1_p, y1_p, x2_p, y2_p),
            lambda: jnp.zeros((1024, _LANES), jnp.float32))
    return out[:_POST_NMS, :4]

# --- scband reference (transcript-rebuilt; emitter-appended) ---
"""Pipeline reference for scband-rpn-79336635891801 (READ-ONLY COPY).

The authoritative reference and input builder live on the scoring server;
editing this copy changes nothing except your own understanding.
"""

import jax, jax.numpy as jnp
import numpy as np

STRIDE = 16
SIZES = (128.0, 256.0, 512.0)
RATIOS = (0.5, 1.0, 2.0)
PRE_NMS = 5000
POST_NMS = 1000
NMS_THRESH = 0.7
MIN_SIZE = 1.0


def conv2d(x, w, b):
    y = jax.lax.conv_general_dilated(x, w, window_strides=(1, 1), padding='SAME',
                                     dimension_numbers=('NCHW', 'OIHW', 'NCHW'))
    return y + b[None, :, None, None]


def make_anchors(H, W):
    scales = jnp.asarray(SIZES, dtype=jnp.float32)
    ratios = jnp.asarray(RATIOS, dtype=jnp.float32)
    h_r = jnp.sqrt(ratios)
    w_r = 1.0 / h_r
    ws = (w_r[:, None] * scales[None, :]).reshape(-1)
    hs = (h_r[:, None] * scales[None, :]).reshape(-1)
    base = jnp.stack([-ws, -hs, ws, hs], axis=1) * 0.5  # [A,4]
    sx = (jnp.arange(W, dtype=jnp.float32) + 0.5) * STRIDE
    sy = (jnp.arange(H, dtype=jnp.float32) + 0.5) * STRIDE
    gx, gy = jnp.meshgrid(sx, sy)  # [H,W]
    shifts = jnp.stack([gx, gy, gx, gy], axis=-1).reshape(-1, 1, 4)
    return (shifts + base[None, :, :]).reshape(-1, 4)


def decode(anchors, deltas):
    wa = anchors[:, 2] - anchors[:, 0]
    ha = anchors[:, 3] - anchors[:, 1]
    cxa = anchors[:, 0] + 0.5 * wa
    cya = anchors[:, 1] + 0.5 * ha
    dx, dy = deltas[:, 0], deltas[:, 1]
    lim = float(np.log(1000.0 / 16.0))
    dw = jnp.minimum(deltas[:, 2], lim)
    dh = jnp.minimum(deltas[:, 3], lim)
    cx = dx * wa + cxa
    cy = dy * ha + cya
    w = jnp.exp(dw) * wa
    h = jnp.exp(dh) * ha
    return jnp.stack([cx - 0.5 * w, cy - 0.5 * h, cx + 0.5 * w, cy + 0.5 * h], axis=1)


def clip_boxes(boxes, image_h, image_w):
    x1 = jnp.minimum(jnp.maximum(boxes[:, 0], 0.0), image_w)
    y1 = jnp.minimum(jnp.maximum(boxes[:, 1], 0.0), image_h)
    x2 = jnp.minimum(jnp.maximum(boxes[:, 2], 0.0), image_w)
    y2 = jnp.minimum(jnp.maximum(boxes[:, 3], 0.0), image_h)
    return jnp.stack([x1, y1, x2, y2], axis=1)


def iou_one_vs_all(box, boxes):
    ix1 = jnp.maximum(box[0], boxes[:, 0])
    iy1 = jnp.maximum(box[1], boxes[:, 1])
    ix2 = jnp.minimum(box[2], boxes[:, 2])
    iy2 = jnp.minimum(box[3], boxes[:, 3])
    inter = jnp.maximum(ix2 - ix1, 0.0) * jnp.maximum(iy2 - iy1, 0.0)
    area_b = (box[2] - box[0]) * (box[3] - box[1])
    areas = (boxes[:, 2] - boxes[:, 0]) * (boxes[:, 3] - boxes[:, 1])
    return inter / jnp.maximum(area_b + areas - inter, 1e-9)


def nms_fixed(boxes, scores, thresh, max_out):
    def body(sc, _):
        i = jnp.argmax(sc)
        best = boxes[i]
        iou = iou_one_vs_all(best, boxes)
        sc = jnp.where(iou > thresh, -jnp.inf, sc)
        sc = sc.at[i].set(-jnp.inf)
        return sc, i
    _, keep = jax.lax.scan(body, scores, None, length=max_out)
    return keep


def head_and_flatten(feature, w1, b1, w_cls, b_cls, w_reg, b_reg):
    x = jax.nn.relu(conv2d(feature, w1, b1))
    conf = conv2d(x, w_cls, b_cls)
    off = conv2d(x, w_reg, b_reg)
    conf_flat = jnp.transpose(conf, (0, 2, 3, 1)).reshape(-1)
    off_flat = jnp.transpose(off, (0, 2, 3, 1)).reshape(-1, 4)
    return conf_flat, off_flat


def setup_inputs(seed: int = 0) -> dict:
    key = jax.random.key(seed)
    ks = jax.random.split(key, 4)
    C, A, H, W = 256, 9, 50, 50
    feature = jax.random.normal(ks[0], (1, C, H, W), dtype=jnp.float32)
    w1 = jax.random.normal(ks[1], (C, C, 3, 3), dtype=jnp.float32) * 0.02
    b1 = jnp.zeros((C,), jnp.float32)
    w_cls = jax.random.normal(ks[2], (A, C, 1, 1), dtype=jnp.float32) * 0.02
    b_cls = jnp.zeros((A,), jnp.float32)
    w_reg = jax.random.normal(ks[3], (4 * A, C, 1, 1), dtype=jnp.float32) * 0.01
    b_reg = jnp.zeros((4 * A,), jnp.float32)
    return {"feature": feature, "w1": w1, "b1": b1, "w_cls": w_cls, "b_cls": b_cls,
            "w_reg": w_reg, "b_reg": b_reg, "image_h": 800, "image_w": 800}


def reference(feature, w1, b1, w_cls, b_cls, w_reg, b_reg, image_h, image_w):
    conf_flat, off_flat = head_and_flatten(feature, w1, b1, w_cls, b_cls, w_reg, b_reg)
    H, W = feature.shape[2], feature.shape[3]
    anchors = make_anchors(H, W)
    pre = min(int(conf_flat.shape[0]), PRE_NMS)
    top_scores, top_idx = jax.lax.top_k(conf_flat, pre)
    prop = decode(anchors[top_idx], off_flat[top_idx])
    prop = clip_boxes(prop, jnp.asarray(image_h, jnp.float32), jnp.asarray(image_w, jnp.float32))
    ws_ = prop[:, 2] - prop[:, 0]
    hs_ = prop[:, 3] - prop[:, 1]
    sc = jnp.where((ws_ >= MIN_SIZE) & (hs_ >= MIN_SIZE), top_scores, -jnp.inf)
    keep = nms_fixed(prop, sc, NMS_THRESH, POST_NMS)
    proposal = prop[keep]
    return proposal

if __name__ == "__main__":
    import jax
    _d = setup_inputs()
    print(jax.jit(kernel)(*tuple(_d.values())))

</pallas_src>

<mosaic_0001>
module attributes {stable_mosaic.version = 14 : i64} {
  func.func @_nms_kernel(%arg0: memref<40x128xf32, #tpu.memory_space<vmem>>, %arg1: memref<40x128xf32, #tpu.memory_space<vmem>>, %arg2: memref<40x128xf32, #tpu.memory_space<vmem>>, %arg3: memref<40x128xf32, #tpu.memory_space<vmem>>, %arg4: memref<40x128xf32, #tpu.memory_space<vmem>>, %arg5: memref<1024x128xf32, #tpu.memory_space<vmem>>, %arg6: memref<40x128xf32, #tpu.memory_space<vmem>>) attributes {dimension_semantics = [], scalar_prefetch = 0 : i64, scratch_operands = 1 : i64, tpu.core_type = #tpu.core_type<tc>} {
    %get3A = arith.constant 0 : index
    %get3A_0 = arith.constant 0 : index
    %get3A_1 = vector.load %arg1[%get3A, %get3A_0] : memref<40x128xf32, #tpu.memory_space<vmem>>, vector<40x128xf32>
    %get3A_2 = arith.constant 0 : index
    %get3A_3 = arith.constant 0 : index
    %get3A_4 = vector.load %arg2[%get3A_2, %get3A_3] : memref<40x128xf32, #tpu.memory_space<vmem>>, vector<40x128xf32>
    %get3A_5 = arith.constant 0 : index
    %get3A_6 = arith.constant 0 : index
    %get3A_7 = vector.load %arg3[%get3A_5, %get3A_6] : memref<40x128xf32, #tpu.memory_space<vmem>>, vector<40x128xf32>
    %get3A_8 = arith.constant 0 : index
    %get3A_9 = arith.constant 0 : index
    %get3A_10 = vector.load %arg4[%get3A_8, %get3A_9] : memref<40x128xf32, #tpu.memory_space<vmem>>, vector<40x128xf32>
    %sub3A = arith.subf %get3A_7, %get3A_1 : vector<40x128xf32>
    %sub3A_11 = arith.subf %get3A_10, %get3A_4 : vector<40x128xf32>
    %ge3A = arith.constant 1.000000e+00 : f32
    %ge3A_12 = vector.broadcast %ge3A : f32 to vector<40x128xf32>
    %ge3A_13 = arith.cmpf oge, %sub3A, %ge3A_12 : vector<40x128xf32>
    %ge3A_14 = arith.constant 1.000000e+00 : f32
    %ge3A_15 = vector.broadcast %ge3A_14 : f32 to vector<40x128xf32>
    %ge3A_16 = arith.cmpf oge, %sub3A_11, %ge3A_15 : vector<40x128xf32>
    %and3A = arith.andi %ge3A_13, %ge3A_16 : vector<40x128xi1>
    %get3A_17 = arith.constant 0 : index
    %get3A_18 = arith.constant 0 : index
    %get3A_19 = vector.load %arg0[%get3A_17, %get3A_18] : memref<40x128xf32, #tpu.memory_space<vmem>>, vector<40x128xf32>
    %jit3A = arith.constant 0xFF800000 : f32
    %broadcast_in_dim3A = vector.broadcast %jit3A : f32 to vector<40x128xf32>
    %select_n3A = arith.select %and3A, %get3A_19, %broadcast_in_dim3A : vector<40x128xi1>, vector<40x128xf32>
    %mul3A = arith.mulf %sub3A, %sub3A_11 : vector<40x128xf32>
    %swap3A = arith.constant 0 : index
    %swap3A_20 = arith.constant 0 : index
    %swap3A_21 = vector.load %arg6[%swap3A, %swap3A_20] : memref<40x128xf32, #tpu.memory_space<vmem>>, vector<40x128xf32>
    tpu.vector_store %arg6[%swap3A, %swap3A_20], %mul3A {strides = array<i32>} : memref<40x128xf32, #tpu.memory_space<vmem>>, vector<40x128xf32>,
    %iota3A = tpu.iota {dimensions = array<i32: 0>} : vector<40x128xi32>
    %mul3A_22 = arith.constant 128 : i32
    %mul3A_23 = vector.broadcast %mul3A_22 : i32 to vector<40x128xi32>
    %mul3A_24 = arith.muli %iota3A, %mul3A_23 : vector<40x128xi32>
    %iota3A_25 = tpu.iota {dimensions = array<i32: 1>} : vector<40x128xi32>
    %add3A = arith.addi %mul3A_24, %iota3A_25 : vector<40x128xi32>
    %iota3A_26 = tpu.iota {dimensions = array<i32: 1>} : vector<1x128xi32>
    %eq3A = arith.constant 0 : i32
    %eq3A_27 = vector.broadcast %eq3A : i32 to vector<40x128xi32>
    %eq3A_28 = arith.cmpi eq, %add3A, %eq3A_27 : vector<40x128xi32>
    %jit3A_29 = arith.constant 0.000000e+00 : f32
    %broadcast_in_dim3A_30 = vector.broadcast %jit3A_29 : f32 to vector<40x128xf32>
    %select_n3A_31 = arith.select %eq3A_28, %get3A_1, %broadcast_in_dim3A_30 : vector<40x128xi1>, vector<40x128xf32>
    %reduce_sum3A = vector.shape_cast %select_n3A_31 : vector<40x128xf32> to vector<1x40x128xf32>
    %reduce_sum3A_32 = arith.constant dense<0.000000e+00> : vector<1xf32>
    %reduce_sum3A_33 = vector.multi_reduction <add>, %reduce_sum3A, %reduce_sum3A_32 [1, 2] : vector<1x40x128xf32> to vector<1xf32>
    %reduce_sum3A_34 = vector.shape_cast %reduce_sum3A_33 : vector<1xf32> to vector<1x1x1xf32>
    %reduce_sum3A_35 = vector.extract %reduce_sum3A_34[0, 0, 0] : f32 from vector<1x1x1xf32>
    %jit3A_36 = arith.constant 0.000000e+00 : f32
    %broadcast_in_dim3A_37 = vector.broadcast %jit3A_36 : f32 to vector<40x128xf32>
    %select_n3A_38 = arith.select %eq3A_28, %get3A_4, %broadcast_in_dim3A_37 : vector<40x128xi1>, vector<40x128xf32>
    %reduce_sum3A_39 = vector.shape_cast %select_n3A_38 : vector<40x128xf32> to vector<1x40x128xf32>
    %reduce_sum3A_40 = arith.constant dense<0.000000e+00> : vector<1xf32>
    %reduce_sum3A_41 = vector.multi_reduction <add>, %reduce_sum3A_39, %reduce_sum3A_40 [1, 2] : vector<1x40x128xf32> to vector<1xf32>
    %reduce_sum3A_42 = vector.shape_cast %reduce_sum3A_41 : vector<1xf32> to vector<1x1x1xf32>
    %reduce_sum3A_43 = vector.extract %reduce_sum3A_42[0, 0, 0] : f32 from vector<1x1x1xf32>
    %jit3A_44 = arith.constant 0.000000e+00 : f32
    %broadcast_in_dim3A_45 = vector.broadcast %jit3A_44 : f32 to vector<40x128xf32>
    %select_n3A_46 = arith.select %eq3A_28, %get3A_7, %broadcast_in_dim3A_45 : vector<40x128xi1>, vector<40x128xf32>
    %reduce_sum3A_47 = vector.shape_cast %select_n3A_46 : vector<40x128xf32> to vector<1x40x128xf32>
    %reduce_sum3A_48 = arith.constant dense<0.000000e+00> : vector<1xf32>
    %reduce_sum3A_49 = vector.multi_reduction <add>, %reduce_sum3A_47, %reduce_sum3A_48 [1, 2] : vector<1x40x128xf32> to vector<1xf32>
    %reduce_sum3A_50 = vector.shape_cast %reduce_sum3A_49 : vector<1xf32> to vector<1x1x1xf32>
    %reduce_sum3A_51 = vector.extract %reduce_sum3A_50[0, 0, 0] : f32 from vector<1x1x1xf32>
    %jit3A_52 = arith.constant 0.000000e+00 : f32
    %broadcast_in_dim3A_53 = vector.broadcast %jit3A_52 : f32 to vector<40x128xf32>
    %select_n3A_54 = arith.select %eq3A_28, %get3A_10, %broadcast_in_dim3A_53 : vector<40x128xi1>, vector<40x128xf32>
    %reduce_sum3A_55 = vector.shape_cast %select_n3A_54 : vector<40x128xf32> to vector<1x40x128xf32>
    %reduce_sum3A_56 = arith.constant dense<0.000000e+00> : vector<1xf32>
    %reduce_sum3A_57 = vector.multi_reduction <add>, %reduce_sum3A_55, %reduce_sum3A_56 [1, 2] : vector<1x40x128xf32> to vector<1xf32>
    %reduce_sum3A_58 = vector.shape_cast %reduce_sum3A_57 : vector<1xf32> to vector<1x1x1xf32>
    %reduce_sum3A_59 = vector.extract %reduce_sum3A_58[0, 0, 0] : f32 from vector<1x1x1xf32>
    %eq3A_60 = arith.constant 0 : i32
    %eq3A_61 = vector.broadcast %eq3A_60 : i32 to vector<1x128xi32>
    %eq3A_62 = arith.cmpi eq, %iota3A_26, %eq3A_61 : vector<1x128xi32>
    %eq3A_63 = arith.constant 1 : i32
    %eq3A_64 = vector.broadcast %eq3A_63 : i32 to vector<1x128xi32>
    %eq3A_65 = arith.cmpi eq, %iota3A_26, %eq3A_64 : vector<1x128xi32>
    %eq3A_66 = arith.constant 2 : i32
    %eq3A_67 = vector.broadcast %eq3A_66 : i32 to vector<1x128xi32>
    %eq3A_68 = arith.cmpi eq, %iota3A_26, %eq3A_67 : vector<1x128xi32>
    %eq3A_69 = arith.constant 3 : i32
    %eq3A_70 = vector.broadcast %eq3A_69 : i32 to vector<1x128xi32>
    %eq3A_71 = arith.cmpi eq, %iota3A_26, %eq3A_70 : vector<1x128xi32>
    %jit3A_72 = arith.constant 0.000000e+00 : f32
    %broadcast_in_dim3A_73 = vector.broadcast %reduce_sum3A_59 : f32 to vector<1x128xf32>
    %broadcast_in_dim3A_74 = vector.broadcast %jit3A_72 : f32 to vector<1x128xf32>
    %select_n3A_75 = arith.select %eq3A_71, %broadcast_in_dim3A_73, %broadcast_in_dim3A_74 : vector<1x128xi1>, vector<1x128xf32>
    %broadcast_in_dim3A_76 = vector.broadcast %reduce_sum3A_51 : f32 to vector<1x128xf32>
    %select_n3A_77 = arith.select %eq3A_68, %broadcast_in_dim3A_76, %select_n3A_75 : vector<1x128xi1>, vector<1x128xf32>
    %broadcast_in_dim3A_78 = vector.broadcast %reduce_sum3A_43 : f32 to vector<1x128xf32>
    %select_n3A_79 = arith.select %eq3A_65, %broadcast_in_dim3A_78, %select_n3A_77 : vector<1x128xi1>, vector<1x128xf32>
    %broadcast_in_dim3A_80 = vector.broadcast %reduce_sum3A_35 : f32 to vector<1x128xf32>
    %select_n3A_81 = arith.select %eq3A_62, %broadcast_in_dim3A_80, %select_n3A_79 : vector<1x128xi1>, vector<1x128xf32>
    %scan3A = arith.constant 5120 : i32
    %scan3A_82 = arith.constant 0 : i32
    %scan3A_83 = arith.constant 1000 : i32
    %scan3A_84 = arith.addi %scan3A_82, %scan3A_83 : i32
    %scan3A_85 = arith.constant 1 : i32
    %scan3A_86 = scf.for %scan3A_88 = %scan3A_82 to %scan3A_84 step %scan3A_85 iter_args(%scan3A_89 = %select_n3A) -> (vector<40x128xf32>)  : i32 {
      %reduce_max3A = vector.shape_cast %scan3A_89 : vector<40x128xf32> to vector<1x40x128xf32>
      %reduce_max3A_90 = arith.constant dense<0xFF800000> : vector<1xf32>
      %reduce_max3A_91 = vector.multi_reduction <maximumf>, %reduce_max3A, %reduce_max3A_90 [1, 2] : vector<1x40x128xf32> to vector<1xf32>
      %reduce_max3A_92 = vector.shape_cast %reduce_max3A_91 : vector<1xf32> to vector<1x1x1xf32>
      %reduce_max3A_93 = vector.extract %reduce_max3A_92[0, 0, 0] : f32 from vector<1x1x1xf32>
      %gt3A = arith.constant 0xFF800000 : f32
      %gt3A_94 = arith.cmpf ogt, %reduce_max3A_93, %gt3A : f32
      %convert_element_type3A = arith.extui %gt3A_94 : i1 to i32
      %cond3A = arith.constant 0 : i32
      %cond3A_95 = arith.cmpi ne, %convert_element_type3A, %cond3A : i32
      %cond3A_96 = scf.if %cond3A_95 -> (vector<40x128xf32>) {
        %eq3A_97 = vector.broadcast %reduce_max3A_93 : f32 to vector<40x128xf32>
        %eq3A_98 = arith.cmpf oeq, %scan3A_89, %eq3A_97 : vector<40x128xf32>
        %broadcast_in_dim3A_99 = vector.broadcast %scan3A : i32 to vector<40x128xi32>
        %select_n3A_100 = arith.select %eq3A_98, %add3A, %broadcast_in_dim3A_99 : vector<40x128xi1>, vector<40x128xi32>
        %reduce_min3A = vector.shape_cast %select_n3A_100 : vector<40x128xi32> to vector<1x40x128xi32>
        %reduce_min3A_101 = arith.constant dense<2147483647> : vector<1xi32>
        %reduce_min3A_102 = vector.multi_reduction <minsi>, %reduce_min3A, %reduce_min3A_101 [1, 2] : vector<1x40x128xi32> to vector<1xi32>
        %reduce_min3A_103 = vector.shape_cast %reduce_min3A_102 : vector<1xi32> to vector<1x1x1xi32>
        %reduce_min3A_104 = vector.extract %reduce_min3A_103[0, 0, 0] : i32 from vector<1x1x1xi32>
        %shift_right_logical3A = arith.constant 7 : i32
        %shift_right_logical3A_105 = arith.shrui %reduce_min3A_104, %shift_right_logical3A : i32
        %and3A_106 = arith.constant 127 : i32
        %and3A_107 = arith.andi %reduce_min3A_104, %and3A_106 : i32
        %eq3A_108 = vector.broadcast %and3A_107 : i32 to vector<1x128xi32>
        %eq3A_109 = arith.cmpi eq, %iota3A_26, %eq3A_108 : vector<1x128xi32>
        %get3A_110 = arith.index_cast %shift_right_logical3A_105 : i32 to index
        %get3A_111 = arith.constant 0 : index
        %get3A_112 = vector.load %arg1[%get3A_110, %get3A_111] : memref<40x128xf32, #tpu.memory_space<vmem>>, vector<1x128xf32>
        %jit3A_113 = arith.constant 0.000000e+00 : f32
        %broadcast_in_dim3A_114 = vector.broadcast %jit3A_113 : f32 to vector<1x128xf32>
        %select_n3A_115 = arith.select %eq3A_109, %get3A_112, %broadcast_in_dim3A_114 : vector<1x128xi1>, vector<1x128xf32>
        %reduce_sum3A_116 = vector.shape_cast %select_n3A_115 : vector<1x128xf32> to vector<1x1x128xf32>
        %reduce_sum3A_117 = arith.constant dense<0.000000e+00> : vector<1xf32>
        %reduce_sum3A_118 = vector.multi_reduction <add>, %reduce_sum3A_116, %reduce_sum3A_117 [1, 2] : vector<1x1x128xf32> to vector<1xf32>
        %reduce_sum3A_119 = vector.shape_cast %reduce_sum3A_118 : vector<1xf32> to vector<1x1x1xf32>
        %reduce_sum3A_120 = vector.extract %reduce_sum3A_119[0, 0, 0] : f32 from vector<1x1x1xf32>
        %get3A_121 = arith.index_cast %shift_right_logical3A_105 : i32 to index
        %get3A_122 = arith.constant 0 : index
        %get3A_123 = vector.load %arg2[%get3A_121, %get3A_122] : memref<40x128xf32, #tpu.memory_space<vmem>>, vector<1x128xf32>
        %jit3A_124 = arith.constant 0.000000e+00 : f32
        %broadcast_in_dim3A_125 = vector.broadcast %jit3A_124 : f32 to vector<1x128xf32>
        %select_n3A_126 = arith.select %eq3A_109, %get3A_123, %broadcast_in_dim3A_125 : vector<1x128xi1>, vector<1x128xf32>
        %reduce_sum3A_127 = vector.shape_cast %select_n3A_126 : vector<1x128xf32> to vector<1x1x128xf32>
        %reduce_sum3A_128 = arith.constant dense<0.000000e+00> : vector<1xf32>
        %reduce_sum3A_129 = vector.multi_reduction <add>, %reduce_sum3A_127, %reduce_sum3A_128 [1, 2] : vector<1x1x128xf32> to vector<1xf32>
        %reduce_sum3A_130 = vector.shape_cast %reduce_sum3A_129 : vector<1xf32> to vector<1x1x1xf32>
        %reduce_sum3A_131 = vector.extract %reduce_sum3A_130[0, 0, 0] : f32 from vector<1x1x1xf32>
        %get3A_132 = arith.index_cast %shift_right_logical3A_105 : i32 to index
        %get3A_133 = arith.constant 0 : index
        %get3A_134 = vector.load %arg3[%get3A_132, %get3A_133] : memref<40x128xf32, #tpu.memory_space<vmem>>, vector<1x128xf32>
        %jit3A_135 = arith.constant 0.000000e+00 : f32
        %broadcast_in_dim3A_136 = vector.broadcast %jit3A_135 : f32 to vector<1x128xf32>
        %select_n3A_137 = arith.select %eq3A_109, %get3A_134, %broadcast_in_dim3A_136 : vector<1x128xi1>, vector<1x128xf32>
        %reduce_sum3A_138 = vector.shape_cast %select_n3A_137 : vector<1x128xf32> to vector<1x1x128xf32>
        %reduce_sum3A_139 = arith.constant dense<0.000000e+00> : vector<1xf32>
        %reduce_sum3A_140 = vector.multi_reduction <add>, %reduce_sum3A_138, %reduce_sum3A_139 [1, 2] : vector<1x1x128xf32> to vector<1xf32>
        %reduce_sum3A_141 = vector.shape_cast %reduce_sum3A_140 : vector<1xf32> to vector<1x1x1xf32>
        %reduce_sum3A_142 = vector.extract %reduce_sum3A_141[0, 0, 0] : f32 from vector<1x1x1xf32>
        %get3A_143 = arith.index_cast %shift_right_logical3A_105 : i32 to index
        %get3A_144 = arith.constant 0 : index
        %get3A_145 = vector.load %arg4[%get3A_143, %get3A_144] : memref<40x128xf32, #tpu.memory_space<vmem>>, vector<1x128xf32>
        %jit3A_146 = arith.constant 0.000000e+00 : f32
        %broadcast_in_dim3A_147 = vector.broadcast %jit3A_146 : f32 to vector<1x128xf32>
        %select_n3A_148 = arith.select %eq3A_109, %get3A_145, %broadcast_in_dim3A_147 : vector<1x128xi1>, vector<1x128xf32>
        %reduce_sum3A_149 = vector.shape_cast %select_n3A_148 : vector<1x128xf32> to vector<1x1x128xf32>
        %reduce_sum3A_150 = arith.constant dense<0.000000e+00> : vector<1xf32>
        %reduce_sum3A_151 = vector.multi_reduction <add>, %reduce_sum3A_149, %reduce_sum3A_150 [1, 2] : vector<1x1x128xf32> to vector<1xf32>
        %reduce_sum3A_152 = vector.shape_cast %reduce_sum3A_151 : vector<1xf32> to vector<1x1x1xf32>
        %reduce_sum3A_153 = vector.extract %reduce_sum3A_152[0, 0, 0] : f32 from vector<1x1x1xf32>
        %get3A_154 = arith.index_cast %shift_right_logical3A_105 : i32 to index
        %get3A_155 = arith.constant 0 : index
        %get3A_156 = vector.load %arg6[%get3A_154, %get3A_155] : memref<40x128xf32, #tpu.memory_space<vmem>>, vector<1x128xf32>
        %jit3A_157 = arith.constant 0.000000e+00 : f32
        %broadcast_in_dim3A_158 = vector.broadcast %jit3A_157 : f32 to vector<1x128xf32>
        %select_n3A_159 = arith.select %eq3A_109, %get3A_156, %broadcast_in_dim3A_158 : vector<1x128xi1>, vector<1x128xf32>
        %reduce_sum3A_160 = vector.shape_cast %select_n3A_159 : vector<1x128xf32> to vector<1x1x128xf32>
        %reduce_sum3A_161 = arith.constant dense<0.000000e+00> : vector<1xf32>
        %reduce_sum3A_162 = vector.multi_reduction <add>, %reduce_sum3A_160, %reduce_sum3A_161 [1, 2] : vector<1x1x128xf32> to vector<1xf32>
        %reduce_sum3A_163 = vector.shape_cast %reduce_sum3A_162 : vector<1xf32> to vector<1x1x1xf32>
        %reduce_sum3A_164 = vector.extract %reduce_sum3A_163[0, 0, 0] : f32 from vector<1x1x1xf32>
        %eq3A_165 = vector.broadcast %reduce_min3A_104 : i32 to vector<40x128xi32>
        %eq3A_166 = arith.cmpi eq, %add3A, %eq3A_165 : vector<40x128xi32>
        %get3A_167 = arith.constant 0 : index
        %get3A_168 = arith.constant 0 : index
        %get3A_169 = vector.load %arg1[%get3A_167, %get3A_168] : memref<40x128xf32, #tpu.memory_space<vmem>>, vector<40x128xf32>
        %max3A = vector.broadcast %reduce_sum3A_120 : f32 to vector<40x128xf32>
        %max3A_170 = arith.maximumf %max3A, %get3A_169 : vector<40x128xf32>
        %get3A_171 = arith.constant 0 : index
        %get3A_172 = arith.constant 0 : index
        %get3A_173 = vector.load %arg2[%get3A_171, %get3A_172] : memref<40x128xf32, #tpu.memory_space<vmem>>, vector<40x128xf32>
        %max3A_174 = vector.broadcast %reduce_sum3A_131 : f32 to vector<40x128xf32>
        %max3A_175 = arith.maximumf %max3A_174, %get3A_173 : vector<40x128xf32>
        %get3A_176 = arith.constant 0 : index
        %get3A_177 = arith.constant 0 : index
        %get3A_178 = vector.load %arg3[%get3A_176, %get3A_177] : memref<40x128xf32, #tpu.memory_space<vmem>>, vector<40x128xf32>
        %min3A = vector.broadcast %reduce_sum3A_142 : f32 to vector<40x128xf32>
        %min3A_179 = arith.minimumf %min3A, %get3A_178 : vector<40x128xf32>
        %get3A_180 = arith.constant 0 : index
        %get3A_181 = arith.constant 0 : index
        %get3A_182 = vector.load %arg4[%get3A_180, %get3A_181] : memref<40x128xf32, #tpu.memory_space<vmem>>, vector<40x128xf32>
        %min3A_183 = vector.broadcast %reduce_sum3A_153 : f32 to vector<40x128xf32>
        %min3A_184 = arith.minimumf %min3A_183, %get3A_182 : vector<40x128xf32>
        %sub3A_185 = arith.subf %min3A_179, %max3A_170 : vector<40x128xf32>
        %max3A_186 = arith.constant 0.000000e+00 : f32
        %max3A_187 = vector.broadcast %max3A_186 : f32 to vector<40x128xf32>
        %max3A_188 = arith.maximumf %sub3A_185, %max3A_187 : vector<40x128xf32>
        %sub3A_189 = arith.subf %min3A_184, %max3A_175 : vector<40x128xf32>
        %max3A_190 = arith.constant 0.000000e+00 : f32
        %max3A_191 = vector.broadcast %max3A_190 : f32 to vector<40x128xf32>
        %max3A_192 = arith.maximumf %sub3A_189, %max3A_191 : vector<40x128xf32>
        %mul3A_193 = arith.mulf %max3A_188, %max3A_192 : vector<40x128xf32>
        %get3A_194 = arith.constant 0 : index
        %get3A_195 = arith.constant 0 : index
        %get3A_196 = vector.load %arg6[%get3A_194, %get3A_195] : memref<40x128xf32, #tpu.memory_space<vmem>>, vector<40x128xf32>
        %add3A_197 = vector.broadcast %reduce_sum3A_164 : f32 to vector<40x128xf32>
        %add3A_198 = arith.addf %add3A_197, %get3A_196 : vector<40x128xf32>
        %sub3A_199 = arith.subf %add3A_198, %mul3A_193 : vector<40x128xf32>
        %max3A_200 = arith.constant 9.99999971E-10 : f32
        %max3A_201 = vector.broadcast %max3A_200 : f32 to vector<40x128xf32>
        %max3A_202 = arith.maximumf %sub3A_199, %max3A_201 : vector<40x128xf32>
        %div3A = arith.divf %mul3A_193, %max3A_202 : vector<40x128xf32>
        %gt3A_203 = arith.constant 0.699999988 : f32
        %gt3A_204 = vector.broadcast %gt3A_203 : f32 to vector<40x128xf32>
        %gt3A_205 = arith.cmpf ogt, %div3A, %gt3A_204 : vector<40x128xf32>
        %jit3A_206 = arith.constant 0xFF800000 : f32
        %broadcast_in_dim3A_207 = vector.broadcast %jit3A_206 : f32 to vector<40x128xf32>
        %select_n3A_208 = arith.select %gt3A_205, %broadcast_in_dim3A_207, %scan3A_89 : vector<40x128xi1>, vector<40x128xf32>
        %jit3A_209 = arith.constant 0xFF800000 : f32
        %broadcast_in_dim3A_210 = vector.broadcast %jit3A_209 : f32 to vector<40x128xf32>
        %select_n3A_211 = arith.select %eq3A_166, %broadcast_in_dim3A_210, %select_n3A_208 : vector<40x128xi1>, vector<40x128xf32>
        %eq3A_212 = arith.constant 0 : i32
        %eq3A_213 = vector.broadcast %eq3A_212 : i32 to vector<1x128xi32>
        %eq3A_214 = arith.cmpi eq, %iota3A_26, %eq3A_213 : vector<1x128xi32>
        %eq3A_215 = arith.constant 1 : i32
        %eq3A_216 = vector.broadcast %eq3A_215 : i32 to vector<1x128xi32>
        %eq3A_217 = arith.cmpi eq, %iota3A_26, %eq3A_216 : vector<1x128xi32>
        %eq3A_218 = arith.constant 2 : i32
        %eq3A_219 = vector.broadcast %eq3A_218 : i32 to vector<1x128xi32>
        %eq3A_220 = arith.cmpi eq, %iota3A_26, %eq3A_219 : vector<1x128xi32>
        %eq3A_221 = arith.constant 3 : i32
        %eq3A_222 = vector.broadcast %eq3A_221 : i32 to vector<1x128xi32>
        %eq3A_223 = arith.cmpi eq, %iota3A_26, %eq3A_222 : vector<1x128xi32>
        %jit3A_224 = arith.constant 0.000000e+00 : f32
        %broadcast_in_dim3A_225 = vector.broadcast %reduce_sum3A_153 : f32 to vector<1x128xf32>
        %broadcast_in_dim3A_226 = vector.broadcast %jit3A_224 : f32 to vector<1x128xf32>
        %select_n3A_227 = arith.select %eq3A_223, %broadcast_in_dim3A_225, %broadcast_in_dim3A_226 : vector<1x128xi1>, vector<1x128xf32>
        %broadcast_in_dim3A_228 = vector.broadcast %reduce_sum3A_142 : f32 to vector<1x128xf32>
        %select_n3A_229 = arith.select %eq3A_220, %broadcast_in_dim3A_228, %select_n3A_227 : vector<1x128xi1>, vector<1x128xf32>
        %broadcast_in_dim3A_230 = vector.broadcast %reduce_sum3A_131 : f32 to vector<1x128xf32>
        %select_n3A_231 = arith.select %eq3A_217, %broadcast_in_dim3A_230, %select_n3A_229 : vector<1x128xi1>, vector<1x128xf32>
        %broadcast_in_dim3A_232 = vector.broadcast %reduce_sum3A_120 : f32 to vector<1x128xf32>
        %select_n3A_233 = arith.select %eq3A_214, %broadcast_in_dim3A_232, %select_n3A_231 : vector<1x128xi1>, vector<1x128xf32>
        %swap3A_234 = arith.index_cast %scan3A_88 : i32 to index
        %swap3A_235 = arith.constant 0 : index
        %swap3A_236 = vector.load %arg5[%swap3A_234, %swap3A_235] : memref<1024x128xf32, #tpu.memory_space<vmem>>, vector<1x128xf32>
        tpu.vector_store %arg5[%swap3A_234, %swap3A_235], %select_n3A_233 {strides = array<i32>} : memref<1024x128xf32, #tpu.memory_space<vmem>>, vector<1x128xf32>,
        scf.yield %select_n3A_211 : vector<40x128xf32>
      } else {
        %swap3A_97 = arith.index_cast %scan3A_88 : i32 to index
        %swap3A_98 = arith.constant 0 : index
        %swap3A_99 = vector.load %arg5[%swap3A_97, %swap3A_98] : memref<1024x128xf32, #tpu.memory_space<vmem>>, vector<1x128xf32>
        tpu.vector_store %arg5[%swap3A_97, %swap3A_98], %select_n3A_81 {strides = array<i32>} : memref<1024x128xf32, #tpu.memory_space<vmem>>, vector<1x128xf32>,
        scf.yield %scan3A_89 : vector<40x128xf32>
      }
      scf.yield %cond3A_96 : vector<40x128xf32>
    }
    %scan3A_87 = arith.constant 1000 : i32
    return
  }
}

</mosaic_0001>

<sc_bundles>
// kernel: gather_offload_async_start.1
scs
__scs_entry_jumppad:
0x0: {  	(pc) =	sbr.rel $0x88, $3  }
0x1: {  	(tag) =	ssettag $0x0;
	lr =	simm.s32 $0x1  }
0x2: {  	[smem:$0x3F98] =	sst lr;
	_ =	strace $0xD0000000  }
0x3: {  	_ = 	snop  }
0x4: {  	_ = 	snop  }
0x5: {  	_ = 	snop  }
0x6: {  	_ = 	snop  }
0x7: {  	_ = 	snop  }
__scs_overlays_trampoline_lowered:
0x8: {  	[smem:$0x3FA7] =	sst s0  }
0x9: {  	[smem:$0x3FA8] =	sst s1  }
0xa: {  	[smem:$0x3FA9] =	sst s2  }
0xb: {  	[smem:$0x3FAA] =	sst s3  }
0xc: {  	[smem:$0x3FAB] =	sst s4  }
0xd: {  	[smem:$0x3FAC] =	sst s5  }
0xe: {  	[smem:$0x3FAD] =	sst s6  }
0xf: {  	[smem:$0x3FAE] =	sst s7  }
0x10: {  	[smem:$0x3FAF] =	sst s8  }
0x11: {  	[smem:$0x3FB0] =	sst s9;
	s0 =	simm.s32 @!p0 $0x0  }
0x12: {  	s1 =	sld [smem:$0x3F96];
	s0 =	simm.s32 @p0 $0x1  }
0x13: {  	[smem:$0x3FB1] =	sst s0;
	s0 =	simm.s32 @!p1 $0x0  }
0x14: {  	s2 =	sld [smem:$0x3F95];
	s0 =	simm.s32 @p1 $0x1  }
0x15: {  	[smem:$0x3FB2] =	sst s0;
	s0 =	simm.s32 @!p2 $0x0  }
0x16: {  	s3 =	sld [smem:$0x3FDB];
	s0 =	simm.s32 @p2 $0x1  }
0x17: {  	s4 =	simm.s32 $0x1BF5;
	[smem:$0x3FB4] =	sst s0  }
0x18: {  	s0 =	sld [smem:$0x3F97];
	_ =	swait.ge [sflag:s4], $0x0  }
0x19: {  	s7 =	sld [smem:$0x3F98]  }
0x1a: {  	s8 =	sadd.s32 $0xFFFFE003, lr  }
0x1b: {  	s9 =	sadd.s32 $0xFFFFFEF7, lr;
	s5 =	simm.s32 $0xFFFFFFFF;
	p2 =	slt.u32 s8, $0xFFFFF086  }
0x1c: {  	p1 =	slt.u32 s9, $0xF7A;
	s5 =	simm.s32 @!p2 $0x0  }
0x1d: {  	s5 =	simm.s32 @p1 $0x1;
	p0 =	seq.s32 s7, s2  }
0x1e: {  	s7 =	smul.u32 @!p0 $0xF7A, s2;
	p2 =	seq.s32 @!p0 s5, $0x0  }
0x1f: {  	s9 =	smul.u32 $0xF7A, s1;
	s8 =	simm.s32 @!p0 $0x1BF5;
	p2 =	por !p2, p0  }
0x20: {  	[sflag:s8] =	ssyncset.s32 @!p0 $0xFFFFF086;
	s6 =	sadd.s32 @!p0 s3, s7;
	s7 =	simm.s32 @!p0 $0x108  }
0x21: {  	s3 =	sadd.s32 s3, s9;
	s6 =	sadd.s32 @!p0 $0x88, s6;
	s7 =	simm.s32 @p2 $0x1082  }
0x22: {  	[simem:s7], [sflag:s8] =	dma.local @!p0 [hbm:s6], $0xF7A  }
0x23: {  	s9 =	sor.u32 $0xD0000000, s2;
	s6 =	simm.s32 $0x108;
	_ =	swait.ge @!p0 [sflag:s8], $0x0  }
0x24: {  	s3 =	sadd.s32 $0x88, s3;
	s6 =	simm.s32 @!p1 $0x1082;
	[sflag:s4] =	ssyncset.s32 $0xFFFFF086  }
0x25: {  	[simem:s6], [sflag:s4] =	dma.local [hbm:s3], $0xF7A  }
0x26: {  	[smem:$0x3F98] =	sst s1;
	(tag) =	ssettag s2;
	_ =	strace s9  }
0x27: {  	s1 =	sld [smem:$0x3FA8]  }
0x28: {  	s2 =	sld [smem:$0x3FA9]  }
0x29: {  	s4 =	sld [smem:$0x3FAB]  }
0x2a: {  	p0 =	seq.s32 s5, $0x0;
	s5 =	sld [smem:$0x3FAC]  }
0x2b: {  	s6 =	sld [smem:$0x3FAD]  }
0x2c: {  	s7 =	sld [smem:$0x3FAE]  }
0x2d: {  	s3 =	simm.s32 $0x108;
	s8 =	sld [smem:$0x3FAF]  }
0x2e: {  	s3 =	simm.s32 @!p0 $0x1082;
	s9 =	sld [smem:$0x3FB0]  }
0x2f: {  	lr =	sadd.s32 s0, s3;
	s0 =	sld [smem:$0x3FA7]  }
0x30: {  	s3 =	sld [smem:$0x3FAA]  }
0x31: {  	[smem:$0x3FB3] =	sst s10  }
0x32: {  	s10 =	sld [smem:$0x3FB1];
	_ =	sdelay $0x3  }
0x33: {  	p0 =	seq.s32 s10, $0x1;
	s10 =	sld [smem:$0x3FB3];
	_ =	sdelay $0x3  }
0x34: {  	[smem:$0x3FB3] =	sst s10  }
0x35: {  	s10 =	sld [smem:$0x3FB2];
	_ =	sdelay $0x3  }
0x36: {  	p1 =	seq.s32 s10, $0x1;
	s10 =	sld [smem:$0x3FB3];
	_ =	sdelay $0x3  }
0x37: {  	[smem:$0x3FB3] =	sst s10  }
0x38: {  	s10 =	sld [smem:$0x3FB4]  }
0x39: {  	_ = 	snop;
	(pc) =	sbr.ind lr, $3  }
0x3a: {  	_ = 	snop  }
0x3b: {  	_ = 	snop  }
0x3c: {  	p2 =	seq.s32 s10, $0x1;
	s10 =	sld [smem:$0x3FB3]  }
0x3d: {  	_ =	shalt  }
0x3e: {  	_ =	shalt  }
0x3f: {  	_ =	shalt  }
0x40: {  	_ =	shalt  }
0x41: {  	_ =	shalt  }
0x42: {  	_ =	shalt  }
0x43: {  	_ =	shalt  }
0x44: {  	_ =	shalt  }
0x45: {  	_ =	shalt  }
0x46: {  	_ =	shalt  }
0x47: {  	_ =	shalt  }
0x48: {  	_ =	shalt  }
0x49: {  	_ =	shalt  }
0x4a: {  	_ =	shalt  }
0x4b: {  	_ =	shalt  }
0x4c: {  	_ =	shalt  }
0x4d: {  	_ =	shalt  }
0x4e: {  	_ =	shalt  }
0x4f: {  	_ =	shalt  }
0x50: {  	_ =	shalt  }
0x51: {  	_ =	shalt  }
0x52: {  	_ =	shalt  }
0x53: {  	_ =	shalt  }
0x54: {  	_ =	shalt  }
0x55: {  	_ =	shalt  }
0x56: {  	_ =	shalt  }
0x57: {  	_ =	shalt  }
0x58: {  	_ =	shalt  }
0x59: {  	_ =	shalt  }
0x5a: {  	_ =	shalt  }
0x5b: {  	_ =	shalt  }
0x5c: {  	_ =	shalt  }
0x5d: {  	_ =	shalt  }
0x5e: {  	_ =	shalt  }
0x5f: {  	_ =	shalt  }
0x60: {  	_ =	shalt  }
0x61: {  	_ =	shalt  }
0x62: {  	_ =	shalt  }
0x63: {  	_ =	shalt  }
0x64: {  	_ =	shalt  }
0x65: {  	_ =	shalt  }
0x66: {  	_ =	shalt  }
0x67: {  	_ =	shalt  }
0x68: {  	_ =	shalt  }
0x69: {  	_ =	shalt  }
0x6a: {  	_ =	shalt  }
0x6b: {  	_ =	shalt  }
0x6c: {  	_ =	shalt  }
0x6d: {  	_ =	shalt  }
0x6e: {  	_ =	shalt  }
0x6f: {  	_ =	shalt  }
0x70: {  	_ =	shalt  }
0x71: {  	_ =	shalt  }
0x72: {  	_ =	shalt  }
0x73: {  	_ =	shalt  }
0x74: {  	_ =	shalt  }
0x75: {  	_ =	shalt  }
0x76: {  	_ =	shalt  }
0x77: {  	_ =	shalt  }
0x78: {  	_ =	shalt  }
0x79: {  	_ =	shalt  }
0x7a: {  	_ =	shalt  }
0x7b: {  	_ =	shalt  }
0x7c: {  	_ =	shalt  }
0x7d: {  	_ =	shalt  }
0x7e: {  	_ =	shalt  }
0x7f: {  	_ =	shalt  }
0x80: {  	_ =	shalt  }
0x81: {  	_ =	shalt  }
0x82: {  	_ =	shalt  }
0x83: {  	_ =	shalt  }
0x84: {  	_ =	shalt  }
0x85: {  	_ =	shalt  }
0x86: {  	_ =	shalt  }
0x87: {  	_ =	shalt  }
.Lfunc_end0:
.L_simem_size_0:
called_computation.1_lowered:
.L_overlay_start_0:
0x88: {  	s0 =	sld [smem:$0x3FD9]  }
0x89: {  	s1 =	sld [smem:$0x3FFE];
	_ =	sdelay $0x3  }
0x8a: {  	s0 =	sadd.s32 s1, s0  }
0x8b: {  	[smem:$0x3FBF] =	sst s0  }
0x8c: {  	_ = 	snop  }
0x8d: {  	(tm) =	ssettm $0x1  }
0x8e: {  	s15 =	sld [smem:$0x3FFB];
	_ =	sdelay $0x3  }
0x8f: {  	_ =	strace s15  }
0x90: {  	s0 =	sld [smem:$0x3FFC];
	_ =	sdelay $0x3  }
0x91: {  	_ =	strace s0  }
0x92: {  	s0 =	sld [smem:$0x3FFD];
	_ =	sdelay $0x3  }
0x93: {  	_ =	strace s0  }
0x94: {  	_ =	strace $0x8FFFFFFF  }
0x95: {  	s16 =	sld [smem:$0x3FDB];
	_ =	sdelay $0x1  }
0x96: {  	s17 =	simm.s32 $_scs_section_size  }
0x97: {  	s2 =	simm.s32 $_size__tile_overlayer_lowered;
	s3 =	simm.s32 $_tile_overlayer_lowered  }
0x98: {  	s20 =	simm.s32 $0x1BFF;
	s19 =	sshll.u32 s3, $0x1;
	s0 =	sadd.s32 s17, s16  }
0x99: {  	s4 =	simm.s32 $0x0;
	s18 =	sshll.u32 s2, $0x1;
	s2 =	sadd.s32 s19, s0  }
0x9a: {  	[timem:s4], [sflag:s20] =	dma.local [hbm:s2], s18  }
0x9b: {  	_ =	swait.ge [sflag:s20], s18  }
0x9c: {  	s1 =	ssub.s32 $0x0, s18;
	[sflag:s20] =	ssyncset.done $0x0  }
0x9d: {  	[sflag:s20] =	ssyncadd.s32 s1;
	_ =	sdelay $0x1  }
0x9e: {  	s21 =	simm.s32 $0x1B8B  }
0x9f: {  	_ =	swait.ge [sflag:s21], $0x1  }
0xa0: {  	[sflag:s21] =	ssyncset.done $0x0  }
0xa1: {  	s23 =	simm.s32 $0x1B8E;
	s22 =	sld [smem:$0x3FFE];
	[sflag:s21] =	ssyncadd.s32 $0xFFFFFFFF  }
0xa2: {  	s24 =	simm.s32 $execute0_lowered;
	[smem:$0x3FD2] =	sst s23  }
0xa3: {  	s2 =	sshll.u32 s24, $0x1;
	_ =	strace $0x80000046;
	[dreg:$0x1] =	wrdreg $0xFFFFFFFF  }
0xa4: {  	s25 =	simm.s32 $_size_execute0_lowered;
	s0 =	sadd.s32 s0, s2;
	[dreg:$0x0] =	wrdreg $0x0  }
0xa5: {  	s2 =	sshll.u32 s25, $0x1;
	[dreg:$0x2] =	wrdreg s0  }
0xa6: {  	[dreg:$0x3] =	wrdreg s2  }
0xa7: {  	[dreg:$0x4] =	wrdreg $0xC0  }
0xa8: {  	_ =	task [dreg:s4], $0x5FFFF  }
0xa9: {  	[dreg:$0x1] =	wrdreg $0xFFFFFFFF  }
0xaa: {  	[dreg:$0x0] =	wrdreg $0x60  }
0xab: {  	[dreg:$0x2] =	wrdreg s22  }
0xac: {  	[dreg:$0x3] =	wrdreg $0x9  }
0xad: {  	_ =	task.clear_ibuf [dreg:s4], $0x4FFFF;
	_ =	strace $0x90000046  }
0xae: {  	s26 =	simm.s32 $0x9;
	_ =	strace $0x80000048  }
0xaf: {  	_ =	swait.ge [sflag:s26], $0x1  }
0xb0: {  	[sflag:s26] =	ssyncadd.s32 $0xFFFFFFFF  }
0xb1: {  	_ =	strace $0x90000048  }
0xb2: {  	_ =	sfence  }
0xb3: {  	s28 =	sld [smem:$0x0];
	_ =	sdelay $0x1  }
0xb4: {  	s29 =	srdreg.scid  }
0xb5: {  	s30 =	sshll.u32 s29, $0xD;
	s31 =	sshrl.u32 s29, $0x2  }
0xb6: {  	s1 =	sand.u32 $0x1, s29;
	s2 =	sand.u32 $0x4000, s30;
	s0 =	sadd.s32 s31, s28  }
0xb7: {  	s1 =	sor.u32 s2, s1;
	s0 =	sshll.u32 s0, $0x11  }
0xb8: {  	s0 =	sor.u32 s0, s1  }
0xb9: {  	s0 =	sadd.s32 $0x8F2B, s0  }
0xba: {  	[sflag:s0] =	ssyncadd.remote.s32 $0x1  }
0xbb: {  	_ =	sfence.sel $0xFFFF  }
0xbc: {  	[dreg:$0x0] =	wrdreg $0xFFFFFFFF;
	(pc) =	sbr.abs _section_cstart, $3  }
0xbd: {  	[dreg:$0x1] =	wrdreg $0xFFFFFFFF  }
0xbe: {  	_ =	task.clear_ibuf [dreg:s4], $0x2FFFF;
	_ =	strace $0x9FFFFFFF  }
0xbf: {  	(tm) =	ssettm $0x7FFFFFFF  }
tec
execute0_lowered:
.L_overlay_start_1:
0x0: {  	(tag) =	ssettag $0x1  }
0x1: {  	s0 =	stileid.u32  }
0x2: {  	s1 =	smin.u32 s0, $0x9  }
0x3: {  	s1 =	sadd.s32 s0, s1  }
0x4: {  	s2 =	simm.s32 $0x190;
	p0 =	slt.u32 s0, $0x9;
	s1 =	smul.u32 $0xC8, s1  }
0x5: {  	s2 =	simm.s32 @!p0 $0xC8  }
0x6: {  	s2 =	sadd.s32 s2, s1  }
0x7: {  	s3 =	smin.u32 s2, $0x1388  }
0x8: {  	s7 =	ssub.s32 s3, s1  }
0x9: {  	p0 =	sgt.s32 s7, $0x0  }
0xa: {  	s7 =	simm.s32 @!p0 $0x0  }
0xb: {  	s31 =	sand.u32 $0xFFF8, s7  }
0xc: {  	s2 =	sshrl.u32 s31, $0x3  }
0xd: {  	s2 =	smul.u32 $0x147B, s2  }
0xe: {  	s4 =	rddreg [dreg:$0x0];
	s6 =	simm.s32 $0x1  }
0xf: {  	s10 =	simm.s32 $0x3;
	s13 =	simm.s32 $0x0;
	s8 =	sshrl.u32 s2, $0x11  }
0x10: {  	s12 =	simm.s32 $0x0;
	s5 =	sadd.s32 $0x58000, s4;
	s9 =	smul.u32 $0xC8, s8  }
.Ltmp0:
0x11: {  	s11 =	smov.u32 s1;
	s2 =	rddreg [dreg:$0x1];
	(pc) =	sbr.rel .LBB2_1-.Ltmp0, $4  }
0x12: {  	_ =	strace $0x80000047;
	p0 =	sne.s32 s7, s9;
	s9 =	simm.s32 $0x1  }
0x13: {  	[sflag:s6] =	ssyncpa.u1 $0x0;
	s7 =	simm.s32 $0x2;
	s9 =	simm.s32 @!p0 $0x0  }
0x14: {  	[sflag:s7] =	ssyncpa.u1 $0x0;
	p0 =	por $0x0, $0x0;
	s8 =	sadd.s32 s8, s9  }
0x15: {  	vm0 =	vmmov $0xff;
	vm1 =	vcmask $0x3F20;
	s9 =	sadd.s32 $0x58400, s4;
	[sflag:s10] =	ssyncpa.u1 $0x0;
	s10 =	sadd.s32 $0x1, s8  }
.LBB2_6:
0x16: {  	[hbm:s17] =	stream.linear.scatter [tilespmem:s14], [sflag:$0x3], $0x400, $0x38;
	[tilespmem:$0xC990] =	vst v63  }
.LBB2_7:
0x17: {  	s13 =	sadd.s32 $0xC8, s11  }
0x18: {  	s15 =	smov.u32 s1;
	p2 =	slt.s32 s13, s3  }
0x19: {  	s15 =	smov.u32 @p2 s13;
	p2 =	sne.s32 s12, s10  }
.Ltmp1:
0x1a: {  	p1 =	slt.u32 s12, $0x2;
	(pc) =	sbr.rel @!p2 .LBB2_8-.Ltmp1, $4  }
0x1b: {  	s14 =	simm.s32 @!p1 $0x3  }
0x1c: {  	s16 =	sadd.s32 $0x1, s12;
	_ =	swait.ge @!p1 [sflag:s14], $0x6400  }
0x1d: {  	p0 =	por !p0, !p0;
	s13 =	smov.u32 s11;
	[sflag:s14] =	ssyncset.done @!p1 $0x0  }
0x1e: {  	s12 =	smov.u32 s16;
	s11 =	smov.u32 s15;
	[sflag:s14] =	ssyncadd.s32 @!p1 $0xFFFF9C00  }
.LBB2_1:
0x1f: {  	p1 =	sge.u32 s12, s8  }
0x20: {  	s14 =	sxor.u32 @!p1 $0xFFFFFFFF, s12  }
0x21: {  	s14 =	sand.u32 @!p1 $0x1, s14  }
0x22: {  	s14 =	smul.u32 @!p1 $0x320, s14  }
0x23: {  	s31 =	sadd.s32 $0xFFFFFFFF, s12;
	s15 =	sshrl.u32 @!p1 s11, $0x3  }
0x24: {  	s16 =	sand.u32 @!p1 $0x7, s11;
	s15 =	sadd.s32 @!p1 s5, s15;
	s14 =	sshrl.u32 @!p1 s14, $0x2  }
0x25: {  	[tilespmem:s14], [sflag:$0x2] =	stream.linear.gather @!p1 [hbm4b:s15+s16], $0xC8, $0x38;
	[tilespmem:$0xC990] =	vst v63  }
0x26: {  	p1 =	sge.u32 s31, s8  }
.Ltmp2:
0x27: {  	_ = 	snop;
	(pc) =	sbr.rel @p1 .LBB2_7-.Ltmp2, $1  }
0x28: {  	_ =	sdelay $0x3  }
0x29: {  	s14 =	simm.s32 $0x1  }
0x2a: {  	s14 =	simm.s32 @!p0 $0x0  }
0x2b: {  	s15 =	smul.u32 $0x320, s14  }
0x2c: {  	_ =	swait.ge [sflag:s7], $0xC8  }
0x2d: {  	[sflag:s7] =	ssyncset.done $0x0;
	s16 =	sshrl.u32 s15, $0x2  }
0x2e: {  	[sflag:s7] =	ssyncadd.s32 $0xFFFFFF38;
	s15 =	sadd.s32 $0x0, s16  }
0x2f: {  	v0 =	vld.msk [tilespmem:s15+$0x0 ss:$0x1], $0xffff;
	_ =	sdelay $0x4  }
0x30: {  	vm2 =	vgt.s32 v0, $0x0  }
0x31: {  	v0 =	vnsel vm2, $0x0, v0  }
0x32: {  	v0 =	vmin.u32 v0, $0x57E3  }
0x33: {  	v0 =	vshll.u32 v0, $0x4  }
0x34: {  	s14 =	smul.u32 $0x19000, s14  }
0x35: {  	s31 =	sand.u32 $0x1, s12  }
0x36: {  	s17 =	smul.u32 $0x320, s31;
	s14 =	sshrl.u32 s14, $0x2  }
0x37: {  	s19 =	smul.u32 $0x19000, s31;
	s14 =	sor.u32 $0x190, s14  }
0x38: {  	[tilespmem:s14], [sflag:$0x1] =	stream.indirect_vreg.gather [hbm:s4], $0x80, v0, vm0, $0x38;
	[tilespmem:$0xC990] =	vst v63  }
0x39: {  	s18 =	sshrl.u32 s17, $0x2;
	s20 =	sadd.s32 $0x10, s16;
	s15 =	sadd.s32 $0x400, s14  }
0x3a: {  	[tilespmem:s15], [sflag:$0x1] =	stream.indirect_vreg.gather [hbm:s4], $0x80, v0, vm1, $0x38;
	[tilespmem:$0xC990] =	vst v63  }
0x3b: {  	s17 =	sshrl.u32 s19, $0x2;
	s19 =	smov.u32 s14;
	v0 =	vld.msk [tilespmem:s20+$0x0 ss:$0x1], $0xffff;
	s20 =	simm.s32 $0x80  }
.LBB2_3:
0x3c: {  	p1 =	sne.s32 s20, $0x2C0;
	_ =	sdelay $0x4  }
0x3d: {  	vm2 =	vgt.s32 v0, $0x0  }
0x3e: {  	v0 =	vnsel vm2, $0x0, v0  }
0x3f: {  	v0 =	vmin.u32 v0, $0x57E3  }
0x40: {  	v0 =	vshll.u32 v0, $0x4;
	_ =	sdelay $0x3  }
.Ltmp3:
0x41: {  	s21 =	sshra.s32 s20, $0x2;
	s19 =	sadd.s32 $0x800, s19;
	(pc) =	sbr.rel @p1 .LBB2_3-.Ltmp3, $4  }
0x42: {  	[tilespmem:s19], [sflag:$0x1] =	stream.indirect_vreg.gather [hbm:s4], $0x80, v0, vm0, $0x38;
	[tilespmem:$0xC990] =	vst v63  }
0x43: {  	s21 =	sadd.s32 s21, s16;
	s22 =	sadd.s32 $0x400, s19  }
0x44: {  	[tilespmem:s22], [sflag:$0x1] =	stream.indirect_vreg.gather [hbm:s4], $0x80, v0, vm1, $0x38;
	[tilespmem:$0xC990] =	vst v63  }
0x45: {  	s20 =	sadd.s32 $0x40, s20;
	v0 =	vld.msk [tilespmem:s21+$0x0 ss:$0x1], $0xffff  }
0x46: {  	_ =	sdelay $0x3  }
0x47: {  	vm2 =	vgt.s32 v0, $0x0  }
0x48: {  	v0 =	vnsel vm2, $0x0, v0  }
0x49: {  	v0 =	vmin.u32 v0, $0x57E3  }
0x4a: {  	v0 =	vshll.u32 v0, $0x4;
	_ =	sdelay $0x3  }
0x4b: {  	s16 =	sadd.s32 $0x800, s19  }
0x4c: {  	[tilespmem:s16], [sflag:$0x1] =	stream.indirect_vreg.gather [hbm:s4], $0x80, v0, vm0, $0x38;
	[tilespmem:$0xC990] =	vst v63  }
0x4d: {  	s16 =	sadd.s32 $0x400, s16  }
0x4e: {  	[tilespmem:s16], [sflag:$0x1] =	stream.indirect_vreg.gather [hbm:s4], $0x80, v0, vm1, $0x38;
	[tilespmem:$0xC990] =	vst v63  }
0x4f: {  	v0 =	vld.msk [tilespmem:s18+$0xC0 ss:$0x1], $0xff;
	_ =	sdelay $0x4  }
0x50: {  	vm2 =	vgt.s32 v0, $0x0  }
0x51: {  	v0 =	vnsel vm2, $0x0, v0  }
0x52: {  	v0 =	vmin.u32 v0, $0x57E3  }
0x53: {  	v0 =	vshll.u32 v0, $0x4;
	_ =	sdelay $0x3  }
0x54: {  	s31 =	sadd.s32 $0x6190, s17  }
0x55: {  	[tilespmem:s31], [sflag:$0x1] =	stream.indirect_vreg.gather [hbm:s4], $0x80, v0, vm0, $0x38;
	[tilespmem:$0xC990] =	vst v63  }
0x56: {  	s13 =	sshll.u32 s13, $0x4;
	_ =	swait.ge [sflag:s6], $0x6400  }
0x57: {  	s13 =	sadd.s32 s13, s9;
	[sflag:s6] =	ssyncset.done $0x0  }
0x58: {  	s17 =	sadd.s32 $0x0, s13;
	s16 =	simm.s32 $0x80;
	[sflag:s6] =	ssyncadd.s32 $0xFFFF9C00  }
.LBB2_5:
0x59: {  	[hbm:s17] =	stream.linear.scatter [tilespmem:s14], [sflag:$0x3], $0x400, $0x38;
	[tilespmem:$0xC990] =	vst v63  }
0x5a: {  	s17 =	smov.u32 s16;
	s14 =	smov.u32 s15;
	p1 =	sne.s32 s16, $0xC00  }
.Ltmp4:
0x5b: {  	s16 =	sadd.s32 $0x80, s16;
	(pc) =	sbr.rel @p1 .LBB2_5-.Ltmp4, $2  }
0x5c: {  	_ =	sdelay $0x2  }
0x5d: {  	s15 =	sadd.s32 $0x400, s15;
	s17 =	sadd.s32 s17, s13  }
.Ltmp5:
0x5e: {  	_ = 	snop;
	(pc) =	sbr.rel .LBB2_6-.Ltmp5, $1  }
0x5f: {  	_ =	sdelay $0x3  }
.LBB2_8:
0x60: {  	_ =	sfence.sel $0x180000  }
0x61: {  	s1 =	simm.s32 $0x2;
	[bflag:$0x0] =	sbarrier.arrive $0xFFFF  }
0x62: {  	s30 =	simm.s32 $0x3;
	[sflag:s1] =	ssyncpa.u1 $0x1  }
0x63: {  	s31 =	simm.s32 $0x1;
	[sflag:s30] =	ssyncpa.u1 $0x1  }
0x64: {  	[sflag:s31] =	ssyncpa.u1 $0x1  }
0x65: {  	p0 =	sne.s32 s0, $0x0;
	_ =	strace $0x90000047  }
0x66: {  	s0 =	sadd.s32 @!p0 $0x100000, s2;
	[bflag:$0x2] =	sbarrier.arrive $0xFFFF  }
0x67: {  	[sflag:s0] =	ssyncadd.tile.s32 @!p0 $0x1;
	_ =	shalt  }
.Lfunc_end2:
_tile_overlayer_lowered:
.L_overlay_start_2:
0x68: {  	(tag) =	ssettag $0x2  }
0x69: {  	s0 =	rddreg [dreg:$0x0];
	s2 =	stileid.u32  }
0x6a: {  	s1 =	rddreg [dreg:$0x1];
	p0 =	sne.s32 s2, $0x0  }
0x6b: {  	s3 =	rddreg [dreg:$0x2];
	[bflag:$0x3] =	sbarrier.arrive $0xFFFF;
	s2 =	simm.s32 @!p0 $0x1C01  }
0x6c: {  	[timem:s3], [sflag:s2] =	dma.local @!p0 [hbm:s0], s1  }
0x6d: {  	s0 =	simm.s32 @!p0 $0x1  }
0x6e: {  	_ =	swait.ge @!p0 [sflag:s0], s1  }
0x6f: {  	s1 =	ssub.s32 @!p0 $0x0, s1;
	[sflag:s0] =	ssyncset.done @!p0 $0x0  }
0x70: {  	[sflag:s0] =	ssyncadd.s32 @!p0 s1  }
0x71: {  	[bflag:$0x3] =	sbarrier.arrive $0xFFFF  }
0x72: {  	_ =	shalt  }

// kernel: gather_offload_async_start
scs
__scs_entry_jumppad:
0x0: {  	(pc) =	sbr.rel $0x88, $3  }
0x1: {  	(tag) =	ssettag $0x0;
	lr =	simm.s32 $0x1  }
0x2: {  	[smem:$0x3F98] =	sst lr;
	_ =	strace $0xD0000000  }
0x3: {  	_ = 	snop  }
0x4: {  	_ = 	snop  }
0x5: {  	_ = 	snop  }
0x6: {  	_ = 	snop  }
0x7: {  	_ = 	snop  }
__scs_overlays_trampoline_lowered:
0x8: {  	[smem:$0x3FA7] =	sst s0  }
0x9: {  	[smem:$0x3FA8] =	sst s1  }
0xa: {  	[smem:$0x3FA9] =	sst s2  }
0xb: {  	[smem:$0x3FAA] =	sst s3  }
0xc: {  	[smem:$0x3FAB] =	sst s4  }
0xd: {  	[smem:$0x3FAC] =	sst s5  }
0xe: {  	[smem:$0x3FAD] =	sst s6  }
0xf: {  	[smem:$0x3FAE] =	sst s7  }
0x10: {  	[smem:$0x3FAF] =	sst s8  }
0x11: {  	[smem:$0x3FB0] =	sst s9;
	s0 =	simm.s32 @!p0 $0x0  }
0x12: {  	s1 =	sld [smem:$0x3F96];
	s0 =	simm.s32 @p0 $0x1  }
0x13: {  	[smem:$0x3FB1] =	sst s0;
	s0 =	simm.s32 @!p1 $0x0  }
0x14: {  	s2 =	sld [smem:$0x3F95];
	s0 =	simm.s32 @p1 $0x1  }
0x15: {  	[smem:$0x3FB2] =	sst s0;
	s0 =	simm.s32 @!p2 $0x0  }
0x16: {  	s3 =	sld [smem:$0x3FDB];
	s0 =	simm.s32 @p2 $0x1  }
0x17: {  	s4 =	simm.s32 $0x1BF5;
	[smem:$0x3FB4] =	sst s0  }
0x18: {  	s0 =	sld [smem:$0x3F97];
	_ =	swait.ge [sflag:s4], $0x0  }
0x19: {  	s7 =	sld [smem:$0x3F98]  }
0x1a: {  	s8 =	sadd.s32 $0xFFFFE003, lr  }
0x1b: {  	s9 =	sadd.s32 $0xFFFFFEF7, lr;
	s5 =	simm.s32 $0xFFFFFFFF;
	p2 =	slt.u32 s8, $0xFFFFF086  }
0x1c: {  	p1 =	slt.u32 s9, $0xF7A;
	s5 =	simm.s32 @!p2 $0x0  }
0x1d: {  	s5 =	simm.s32 @p1 $0x1;
	p0 =	seq.s32 s7, s2  }
0x1e: {  	s7 =	smul.u32 @!p0 $0xF7A, s2;
	p2 =	seq.s32 @!p0 s5, $0x0  }
0x1f: {  	s9 =	smul.u32 $0xF7A, s1;
	s8 =	simm.s32 @!p0 $0x1BF5;
	p2 =	por !p2, p0  }
0x20: {  	[sflag:s8] =	ssyncset.s32 @!p0 $0xFFFFF086;
	s6 =	sadd.s32 @!p0 s3, s7;
	s7 =	simm.s32 @!p0 $0x108  }
0x21: {  	s3 =	sadd.s32 s3, s9;
	s6 =	sadd.s32 @!p0 $0x88, s6;
	s7 =	simm.s32 @p2 $0x1082  }
0x22: {  	[simem:s7], [sflag:s8] =	dma.local @!p0 [hbm:s6], $0xF7A  }
0x23: {  	s9 =	sor.u32 $0xD0000000, s2;
	s6 =	simm.s32 $0x108;
	_ =	swait.ge @!p0 [sflag:s8], $0x0  }
0x24: {  	s3 =	sadd.s32 $0x88, s3;
	s6 =	simm.s32 @!p1 $0x1082;
	[sflag:s4] =	ssyncset.s32 $0xFFFFF086  }
0x25: {  	[simem:s6], [sflag:s4] =	dma.local [hbm:s3], $0xF7A  }
0x26: {  	[smem:$0x3F98] =	sst s1;
	(tag) =	ssettag s2;
	_ =	strace s9  }
0x27: {  	s1 =	sld [smem:$0x3FA8]  }
0x28: {  	s2 =	sld [smem:$0x3FA9]  }
0x29: {  	s4 =	sld [smem:$0x3FAB]  }
0x2a: {  	p0 =	seq.s32 s5, $0x0;
	s5 =	sld [smem:$0x3FAC]  }
0x2b: {  	s6 =	sld [smem:$0x3FAD]  }
0x2c: {  	s7 =	sld [smem:$0x3FAE]  }
0x2d: {  	s3 =	simm.s32 $0x108;
	s8 =	sld [smem:$0x3FAF]  }
0x2e: {  	s3 =	simm.s32 @!p0 $0x1082;
	s9 =	sld [smem:$0x3FB0]  }
0x2f: {  	lr =	sadd.s32 s0, s3;
	s0 =	sld [smem:$0x3FA7]  }
0x30: {  	s3 =	sld [smem:$0x3FAA]  }
0x31: {  	[smem:$0x3FB3] =	sst s10  }
0x32: {  	s10 =	sld [smem:$0x3FB1];
	_ =	sdelay $0x3  }
0x33: {  	p0 =	seq.s32 s10, $0x1;
	s10 =	sld [smem:$0x3FB3];
	_ =	sdelay $0x3  }
0x34: {  	[smem:$0x3FB3] =	sst s10  }
0x35: {  	s10 =	sld [smem:$0x3FB2];
	_ =	sdelay $0x3  }
0x36: {  	p1 =	seq.s32 s10, $0x1;
	s10 =	sld [smem:$0x3FB3];
	_ =	sdelay $0x3  }
0x37: {  	[smem:$0x3FB3] =	sst s10  }
0x38: {  	s10 =	sld [smem:$0x3FB4]  }
0x39: {  	_ = 	snop;
	(pc) =	sbr.ind lr, $3  }
0x3a: {  	_ = 	snop  }
0x3b: {  	_ = 	snop  }
0x3c: {  	p2 =	seq.s32 s10, $0x1;
	s10 =	sld [smem:$0x3FB3]  }
0x3d: {  	_ =	shalt  }
0x3e: {  	_ =	shalt  }
0x3f: {  	_ =	shalt  }
0x40: {  	_ =	shalt  }
0x41: {  	_ =	shalt  }
0x42: {  	_ =	shalt  }
0x43: {  	_ =	shalt  }
0x44: {  	_ =	shalt  }
0x45: {  	_ =	shalt  }
0x46: {  	_ =	shalt  }
0x47: {  	_ =	shalt  }
0x48: {  	_ =	shalt  }
0x49: {  	_ =	shalt  }
0x4a: {  	_ =	shalt  }
0x4b: {  	_ =	shalt  }
0x4c: {  	_ =	shalt  }
0x4d: {  	_ =	shalt  }
0x4e: {  	_ =	shalt  }
0x4f: {  	_ =	shalt  }
0x50: {  	_ =	shalt  }
0x51: {  	_ =	shalt  }
0x52: {  	_ =	shalt  }
0x53: {  	_ =	shalt  }
0x54: {  	_ =	shalt  }
0x55: {  	_ =	shalt  }
0x56: {  	_ =	shalt  }
0x57: {  	_ =	shalt  }
0x58: {  	_ =	shalt  }
0x59: {  	_ =	shalt  }
0x5a: {  	_ =	shalt  }
0x5b: {  	_ =	shalt  }
0x5c: {  	_ =	shalt  }
0x5d: {  	_ =	shalt  }
0x5e: {  	_ =	shalt  }
0x5f: {  	_ =	shalt  }
0x60: {  	_ =	shalt  }
0x61: {  	_ =	shalt  }
0x62: {  	_ =	shalt  }
0x63: {  	_ =	shalt  }
0x64: {  	_ =	shalt  }
0x65: {  	_ =	shalt  }
0x66: {  	_ =	shalt  }
0x67: {  	_ =	shalt  }
0x68: {  	_ =	shalt  }
0x69: {  	_ =	shalt  }
0x6a: {  	_ =	shalt  }
0x6b: {  	_ =	shalt  }
0x6c: {  	_ =	shalt  }
0x6d: {  	_ =	shalt  }
0x6e: {  	_ =	shalt  }
0x6f: {  	_ =	shalt  }
0x70: {  	_ =	shalt  }
0x71: {  	_ =	shalt  }
0x72: {  	_ =	shalt  }
0x73: {  	_ =	shalt  }
0x74: {  	_ =	shalt  }
0x75: {  	_ =	shalt  }
0x76: {  	_ =	shalt  }
0x77: {  	_ =	shalt  }
0x78: {  	_ =	shalt  }
0x79: {  	_ =	shalt  }
0x7a: {  	_ =	shalt  }
0x7b: {  	_ =	shalt  }
0x7c: {  	_ =	shalt  }
0x7d: {  	_ =	shalt  }
0x7e: {  	_ =	shalt  }
0x7f: {  	_ =	shalt  }
0x80: {  	_ =	shalt  }
0x81: {  	_ =	shalt  }
0x82: {  	_ =	shalt  }
0x83: {  	_ =	shalt  }
0x84: {  	_ =	shalt  }
0x85: {  	_ =	shalt  }
0x86: {  	_ =	shalt  }
0x87: {  	_ =	shalt  }
.Lfunc_end0:
.L_simem_size_0:
called_computation_lowered:
.L_overlay_start_0:
0x88: {  	s0 =	sld [smem:$0x3FD9]  }
0x89: {  	s1 =	sld [smem:$0x3FFE];
	_ =	sdelay $0x3  }
0x8a: {  	s0 =	sadd.s32 s1, s0  }
0x8b: {  	[smem:$0x3FBF] =	sst s0  }
0x8c: {  	_ = 	snop  }
0x8d: {  	(tm) =	ssettm $0x1  }
0x8e: {  	s15 =	sld [smem:$0x3FFB];
	_ =	sdelay $0x3  }
0x8f: {  	_ =	strace s15  }
0x90: {  	s0 =	sld [smem:$0x3FFC];
	_ =	sdelay $0x3  }
0x91: {  	_ =	strace s0  }
0x92: {  	s0 =	sld [smem:$0x3FFD];
	_ =	sdelay $0x3  }
0x93: {  	_ =	strace s0  }
0x94: {  	_ =	strace $0x8FFFFFFF  }
0x95: {  	s16 =	sld [smem:$0x3FDB];
	_ =	sdelay $0x1  }
0x96: {  	s17 =	simm.s32 $_scs_section_size  }
0x97: {  	s2 =	simm.s32 $_size__tile_overlayer_lowered;
	s3 =	simm.s32 $_tile_overlayer_lowered  }
0x98: {  	s20 =	simm.s32 $0x1BFF;
	s19 =	sshll.u32 s3, $0x1;
	s0 =	sadd.s32 s17, s16  }
0x99: {  	s4 =	simm.s32 $0x0;
	s18 =	sshll.u32 s2, $0x1;
	s2 =	sadd.s32 s19, s0  }
0x9a: {  	[timem:s4], [sflag:s20] =	dma.local [hbm:s2], s18  }
0x9b: {  	_ =	swait.ge [sflag:s20], s18  }
0x9c: {  	s1 =	ssub.s32 $0x0, s18;
	[sflag:s20] =	ssyncset.done $0x0  }
0x9d: {  	[sflag:s20] =	ssyncadd.s32 s1;
	_ =	sdelay $0x1  }
0x9e: {  	s21 =	simm.s32 $0x1B8B  }
0x9f: {  	_ =	swait.ge [sflag:s21], $0x1  }
0xa0: {  	[sflag:s21] =	ssyncset.done $0x0  }
0xa1: {  	s23 =	simm.s32 $0x1B8E;
	s22 =	sld [smem:$0x3FFE];
	[sflag:s21] =	ssyncadd.s32 $0xFFFFFFFF  }
0xa2: {  	s24 =	simm.s32 $execute0_lowered;
	[smem:$0x3FD2] =	sst s23  }
0xa3: {  	s2 =	sshll.u32 s24, $0x1;
	_ =	strace $0x80000049;
	[dreg:$0x1] =	wrdreg $0xFFFFFFFF  }
0xa4: {  	s25 =	simm.s32 $_size_execute0_lowered;
	s0 =	sadd.s32 s0, s2;
	[dreg:$0x0] =	wrdreg $0x0  }
0xa5: {  	s2 =	sshll.u32 s25, $0x1;
	[dreg:$0x2] =	wrdreg s0  }
0xa6: {  	[dreg:$0x3] =	wrdreg s2  }
0xa7: {  	[dreg:$0x4] =	wrdreg $0xC0  }
0xa8: {  	_ =	task [dreg:s4], $0x5FFFF  }
0xa9: {  	[dreg:$0x1] =	wrdreg $0xFFFFFFFF  }
0xaa: {  	[dreg:$0x0] =	wrdreg $0x60  }
0xab: {  	[dreg:$0x2] =	wrdreg s22  }
0xac: {  	[dreg:$0x3] =	wrdreg $0x9  }
0xad: {  	_ =	task.clear_ibuf [dreg:s4], $0x4FFFF;
	_ =	strace $0x90000049  }
0xae: {  	s26 =	simm.s32 $0x9;
	_ =	strace $0x8000004B  }
0xaf: {  	_ =	swait.ge [sflag:s26], $0x1  }
0xb0: {  	[sflag:s26] =	ssyncadd.s32 $0xFFFFFFFF  }
0xb1: {  	_ =	strace $0x9000004B  }
0xb2: {  	_ =	sfence  }
0xb3: {  	s28 =	sld [smem:$0x0];
	_ =	sdelay $0x1  }
0xb4: {  	s29 =	srdreg.scid  }
0xb5: {  	s30 =	sshll.u32 s29, $0xD;
	s31 =	sshrl.u32 s29, $0x2  }
0xb6: {  	s1 =	sand.u32 $0x1, s29;
	s2 =	sand.u32 $0x4000, s30;
	s0 =	sadd.s32 s31, s28  }
0xb7: {  	s1 =	sor.u32 s2, s1;
	s0 =	sshll.u32 s0, $0x11  }
0xb8: {  	s0 =	sor.u32 s0, s1  }
0xb9: {  	s0 =	sadd.s32 $0x8F2B, s0  }
0xba: {  	[sflag:s0] =	ssyncadd.remote.s32 $0x1  }
0xbb: {  	_ =	sfence.sel $0xFFFF  }
0xbc: {  	[dreg:$0x0] =	wrdreg $0xFFFFFFFF;
	(pc) =	sbr.abs _section_cstart, $3  }
0xbd: {  	[dreg:$0x1] =	wrdreg $0xFFFFFFFF  }
0xbe: {  	_ =	task.clear_ibuf [dreg:s4], $0x2FFFF;
	_ =	strace $0x9FFFFFFF  }
0xbf: {  	(tm) =	ssettm $0x7FFFFFFF  }
tec
execute0_lowered:
.L_overlay_start_1:
0x0: {  	(tag) =	ssettag $0x1  }
0x1: {  	s0 =	stileid.u32  }
0x2: {  	s1 =	smin.u32 s0, $0x9  }
0x3: {  	s1 =	sadd.s32 s0, s1  }
0x4: {  	s2 =	simm.s32 $0x190;
	p0 =	slt.u32 s0, $0x9;
	s1 =	smul.u32 $0xC8, s1  }
0x5: {  	s2 =	simm.s32 @!p0 $0xC8  }
0x6: {  	s2 =	sadd.s32 s2, s1  }
0x7: {  	s3 =	smin.u32 s2, $0x1388  }
0x8: {  	s7 =	ssub.s32 s3, s1  }
0x9: {  	p0 =	sgt.s32 s7, $0x0  }
0xa: {  	s7 =	simm.s32 @!p0 $0x0  }
0xb: {  	s31 =	sand.u32 $0xFFF8, s7  }
0xc: {  	s2 =	sshrl.u32 s31, $0x3  }
0xd: {  	s2 =	smul.u32 $0x147B, s2  }
0xe: {  	s4 =	rddreg [dreg:$0x0];
	s6 =	simm.s32 $0x1  }
0xf: {  	s10 =	simm.s32 $0x3;
	s13 =	simm.s32 $0x0;
	s8 =	sshrl.u32 s2, $0x11  }
0x10: {  	s12 =	simm.s32 $0x0;
	s5 =	sadd.s32 $0x58000, s4;
	s9 =	smul.u32 $0xC8, s8  }
.Ltmp0:
0x11: {  	s11 =	smov.u32 s1;
	s2 =	rddreg [dreg:$0x1];
	(pc) =	sbr.rel .LBB2_1-.Ltmp0, $4  }
0x12: {  	_ =	strace $0x8000004A;
	p0 =	sne.s32 s7, s9;
	s9 =	simm.s32 $0x1  }
0x13: {  	[sflag:s6] =	ssyncpa.u1 $0x0;
	s7 =	simm.s32 $0x2;
	s9 =	simm.s32 @!p0 $0x0  }
0x14: {  	[sflag:s7] =	ssyncpa.u1 $0x0;
	p0 =	por $0x0, $0x0;
	s8 =	sadd.s32 s8, s9  }
0x15: {  	vm0 =	vmmov $0xff;
	vm1 =	vcmask $0x3F20;
	s9 =	sadd.s32 $0x6C200, s4;
	[sflag:s10] =	ssyncpa.u1 $0x0;
	s10 =	sadd.s32 $0x1, s8  }
.LBB2_6:
0x16: {  	[hbm:s17] =	stream.linear.scatter [tilespmem:s14], [sflag:$0x3], $0x400, $0x38;
	[tilespmem:$0xC990] =	vst v63  }
.LBB2_7:
0x17: {  	s13 =	sadd.s32 $0xC8, s11  }
0x18: {  	s15 =	smov.u32 s1;
	p2 =	slt.s32 s13, s3  }
0x19: {  	s15 =	smov.u32 @p2 s13;
	p2 =	sne.s32 s12, s10  }
.Ltmp1:
0x1a: {  	p1 =	slt.u32 s12, $0x2;
	(pc) =	sbr.rel @!p2 .LBB2_8-.Ltmp1, $4  }
0x1b: {  	s14 =	simm.s32 @!p1 $0x3  }
0x1c: {  	s16 =	sadd.s32 $0x1, s12;
	_ =	swait.ge @!p1 [sflag:s14], $0x6400  }
0x1d: {  	p0 =	por !p0, !p0;
	s13 =	smov.u32 s11;
	[sflag:s14] =	ssyncset.done @!p1 $0x0  }
0x1e: {  	s12 =	smov.u32 s16;
	s11 =	smov.u32 s15;
	[sflag:s14] =	ssyncadd.s32 @!p1 $0xFFFF9C00  }
.LBB2_1:
0x1f: {  	p1 =	sge.u32 s12, s8  }
0x20: {  	s14 =	sxor.u32 @!p1 $0xFFFFFFFF, s12  }
0x21: {  	s14 =	sand.u32 @!p1 $0x1, s14  }
0x22: {  	s14 =	smul.u32 @!p1 $0x320, s14  }
0x23: {  	s31 =	sadd.s32 $0xFFFFFFFF, s12;
	s15 =	sshrl.u32 @!p1 s11, $0x3  }
0x24: {  	s16 =	sand.u32 @!p1 $0x7, s11;
	s15 =	sadd.s32 @!p1 s5, s15;
	s14 =	sshrl.u32 @!p1 s14, $0x2  }
0x25: {  	[tilespmem:s14], [sflag:$0x2] =	stream.linear.gather @!p1 [hbm4b:s15+s16], $0xC8, $0x38;
	[tilespmem:$0xC990] =	vst v63  }
0x26: {  	p1 =	sge.u32 s31, s8  }
.Ltmp2:
0x27: {  	_ = 	snop;
	(pc) =	sbr.rel @p1 .LBB2_7-.Ltmp2, $1  }
0x28: {  	_ =	sdelay $0x3  }
0x29: {  	s14 =	simm.s32 $0x1  }
0x2a: {  	s14 =	simm.s32 @!p0 $0x0  }
0x2b: {  	s15 =	smul.u32 $0x320, s14  }
0x2c: {  	_ =	swait.ge [sflag:s7], $0xC8  }
0x2d: {  	[sflag:s7] =	ssyncset.done $0x0;
	s16 =	sshrl.u32 s15, $0x2  }
0x2e: {  	[sflag:s7] =	ssyncadd.s32 $0xFFFFFF38;
	s15 =	sadd.s32 $0x0, s16  }
0x2f: {  	v0 =	vld.msk [tilespmem:s15+$0x0 ss:$0x1], $0xffff;
	_ =	sdelay $0x4  }
0x30: {  	vm2 =	vgt.s32 v0, $0x0  }
0x31: {  	v0 =	vnsel vm2, $0x0, v0  }
0x32: {  	v0 =	vmin.u32 v0, $0x57E3  }
0x33: {  	v0 =	vshll.u32 v0, $0x4  }
0x34: {  	s14 =	smul.u32 $0x19000, s14  }
0x35: {  	s31 =	sand.u32 $0x1, s12  }
0x36: {  	s17 =	smul.u32 $0x320, s31;
	s14 =	sshrl.u32 s14, $0x2  }
0x37: {  	s19 =	smul.u32 $0x19000, s31;
	s14 =	sor.u32 $0x190, s14  }
0x38: {  	[tilespmem:s14], [sflag:$0x1] =	stream.indirect_vreg.gather [hbm:s4], $0x80, v0, vm0, $0x38;
	[tilespmem:$0xC990] =	vst v63  }
0x39: {  	s18 =	sshrl.u32 s17, $0x2;
	s20 =	sadd.s32 $0x10, s16;
	s15 =	sadd.s32 $0x400, s14  }
0x3a: {  	[tilespmem:s15], [sflag:$0x1] =	stream.indirect_vreg.gather [hbm:s4], $0x80, v0, vm1, $0x38;
	[tilespmem:$0xC990] =	vst v63  }
0x3b: {  	s17 =	sshrl.u32 s19, $0x2;
	s19 =	smov.u32 s14;
	v0 =	vld.msk [tilespmem:s20+$0x0 ss:$0x1], $0xffff;
	s20 =	simm.s32 $0x80  }
.LBB2_3:
0x3c: {  	p1 =	sne.s32 s20, $0x2C0;
	_ =	sdelay $0x4  }
0x3d: {  	vm2 =	vgt.s32 v0, $0x0  }
0x3e: {  	v0 =	vnsel vm2, $0x0, v0  }
0x3f: {  	v0 =	vmin.u32 v0, $0x57E3  }
0x40: {  	v0 =	vshll.u32 v0, $0x4;
	_ =	sdelay $0x3  }
.Ltmp3:
0x41: {  	s21 =	sshra.s32 s20, $0x2;
	s19 =	sadd.s32 $0x800, s19;
	(pc) =	sbr.rel @p1 .LBB2_3-.Ltmp3, $4  }
0x42: {  	[tilespmem:s19], [sflag:$0x1] =	stream.indirect_vreg.gather [hbm:s4], $0x80, v0, vm0, $0x38;
	[tilespmem:$0xC990] =	vst v63  }
0x43: {  	s21 =	sadd.s32 s21, s16;
	s22 =	sadd.s32 $0x400, s19  }
0x44: {  	[tilespmem:s22], [sflag:$0x1] =	stream.indirect_vreg.gather [hbm:s4], $0x80, v0, vm1, $0x38;
	[tilespmem:$0xC990] =	vst v63  }
0x45: {  	s20 =	sadd.s32 $0x40, s20;
	v0 =	vld.msk [tilespmem:s21+$0x0 ss:$0x1], $0xffff  }
0x46: {  	_ =	sdelay $0x3  }
0x47: {  	vm2 =	vgt.s32 v0, $0x0  }
0x48: {  	v0 =	vnsel vm2, $0x0, v0  }
0x49: {  	v0 =	vmin.u32 v0, $0x57E3  }
0x4a: {  	v0 =	vshll.u32 v0, $0x4;
	_ =	sdelay $0x3  }
0x4b: {  	s16 =	sadd.s32 $0x800, s19  }
0x4c: {  	[tilespmem:s16], [sflag:$0x1] =	stream.indirect_vreg.gather [hbm:s4], $0x80, v0, vm0, $0x38;
	[tilespmem:$0xC990] =	vst v63  }
0x4d: {  	s16 =	sadd.s32 $0x400, s16  }
0x4e: {  	[tilespmem:s16], [sflag:$0x1] =	stream.indirect_vreg.gather [hbm:s4], $0x80, v0, vm1, $0x38;
	[tilespmem:$0xC990] =	vst v63  }
0x4f: {  	v0 =	vld.msk [tilespmem:s18+$0xC0 ss:$0x1], $0xff;
	_ =	sdelay $0x4  }
0x50: {  	vm2 =	vgt.s32 v0, $0x0  }
0x51: {  	v0 =	vnsel vm2, $0x0, v0  }
0x52: {  	v0 =	vmin.u32 v0, $0x57E3  }
0x53: {  	v0 =	vshll.u32 v0, $0x4;
	_ =	sdelay $0x3  }
0x54: {  	s31 =	sadd.s32 $0x6190, s17  }
0x55: {  	[tilespmem:s31], [sflag:$0x1] =	stream.indirect_vreg.gather [hbm:s4], $0x80, v0, vm0, $0x38;
	[tilespmem:$0xC990] =	vst v63  }
0x56: {  	s13 =	sshll.u32 s13, $0x4;
	_ =	swait.ge [sflag:s6], $0x6400  }
0x57: {  	s13 =	sadd.s32 s13, s9;
	[sflag:s6] =	ssyncset.done $0x0  }
0x58: {  	s17 =	sadd.s32 $0x0, s13;
	s16 =	simm.s32 $0x80;
	[sflag:s6] =	ssyncadd.s32 $0xFFFF9C00  }
.LBB2_5:
0x59: {  	[hbm:s17] =	stream.linear.scatter [tilespmem:s14], [sflag:$0x3], $0x400, $0x38;
	[tilespmem:$0xC990] =	vst v63  }
0x5a: {  	s17 =	smov.u32 s16;
	s14 =	smov.u32 s15;
	p1 =	sne.s32 s16, $0xC00  }
.Ltmp4:
0x5b: {  	s16 =	sadd.s32 $0x80, s16;
	(pc) =	sbr.rel @p1 .LBB2_5-.Ltmp4, $2  }
0x5c: {  	_ =	sdelay $0x2  }
0x5d: {  	s15 =	sadd.s32 $0x400, s15;
	s17 =	sadd.s32 s17, s13  }
.Ltmp5:
0x5e: {  	_ = 	snop;
	(pc) =	sbr.rel .LBB2_6-.Ltmp5, $1  }
0x5f: {  	_ =	sdelay $0x3  }
.LBB2_8:
0x60: {  	_ =	sfence.sel $0x180000  }
0x61: {  	s1 =	simm.s32 $0x2;
	[bflag:$0x0] =	sbarrier.arrive $0xFFFF  }
0x62: {  	s30 =	simm.s32 $0x3;
	[sflag:s1] =	ssyncpa.u1 $0x1  }
0x63: {  	s31 =	simm.s32 $0x1;
	[sflag:s30] =	ssyncpa.u1 $0x1  }
0x64: {  	[sflag:s31] =	ssyncpa.u1 $0x1  }
0x65: {  	p0 =	sne.s32 s0, $0x0;
	_ =	strace $0x9000004A  }
0x66: {  	s0 =	sadd.s32 @!p0 $0x100000, s2;
	[bflag:$0x2] =	sbarrier.arrive $0xFFFF  }
0x67: {  	[sflag:s0] =	ssyncadd.tile.s32 @!p0 $0x1;
	_ =	shalt  }
.Lfunc_end2:
_tile_overlayer_lowered:
.L_overlay_start_2:
0x68: {  	(tag) =	ssettag $0x2  }
0x69: {  	s0 =	rddreg [dreg:$0x0];
	s2 =	stileid.u32  }
0x6a: {  	s1 =	rddreg [dreg:$0x1];
	p0 =	sne.s32 s2, $0x0  }
0x6b: {  	s3 =	rddreg [dreg:$0x2];
	[bflag:$0x3] =	sbarrier.arrive $0xFFFF;
	s2 =	simm.s32 @!p0 $0x1C01  }
0x6c: {  	[timem:s3], [sflag:s2] =	dma.local @!p0 [hbm:s0], s1  }
0x6d: {  	s0 =	simm.s32 @!p0 $0x1  }
0x6e: {  	_ =	swait.ge @!p0 [sflag:s0], s1  }
0x6f: {  	s1 =	ssub.s32 @!p0 $0x0, s1;
	[sflag:s0] =	ssyncset.done @!p0 $0x0  }
0x70: {  	[sflag:s0] =	ssyncadd.s32 @!p0 s1  }
0x71: {  	[bflag:$0x3] =	sbarrier.arrive $0xFFFF  }
0x72: {  	_ =	shalt  }

</sc_bundles>
